<compile_context>
chip_gen: v7x
topology: tpu7x:2x2x1
jax: 0.10.2.dev20260603
libtpu: 0.0.44.dev20260713+nightly
codegen_flags: <defaults>
</compile_context>

<pallas_src>
import functools

import jax
import jax.numpy as jnp
from jax import lax
from jax.experimental import pallas as pl
from jax.experimental.pallas import tpu as pltpu
from jax.experimental.pallas import tpu_sc as plsc

N_FEAT = 26
VOCAB = 100001
VOCAB_P = 100032
EMB = 16
B = 1024
L = 200
H = 128
D = N_FEAT * EMB
TOP = 32
D_P = 512

NC = 2
NS = 16
NW = NC * NS
N_TOT = L * B * N_FEAT
SLOT = 32
N_OUT = L * B * SLOT
ROWS_PER_W = N_TOT // NW
KK = 10
CSZ = KK * 128
N_CHUNK = ROWS_PER_W // CSZ
CHUNKS_PER_F = (B * L) // CSZ


def _sc_gather_body(table_hbm, idx_hbm, dst_hbm, out_hbm,
                    idx_v, dst_v, rows_v, sem, sem_s):
    wid = lax.axis_index("s") * NC + lax.axis_index("c")
    row0 = wid * (ROWS_PER_W // 128)

    H1 = KK // 2

    def chunk(cj, carry):
        f = (wid * N_CHUNK + cj) // CHUNKS_PER_F
        pltpu.sync_copy(idx_hbm.at[pl.ds(row0 + cj * KK, KK)], idx_v)
        pltpu.sync_copy(dst_hbm.at[pl.ds(row0 + cj * KK, KK)], dst_v)

        def gather(jj):
            return pltpu.async_copy(
                table_hbm.at[f].at[idx_v.at[jj]],
                rows_v.at[pl.ds(jj * 128, 128)], sem)

        def scatter(jj):
            return pltpu.async_copy(
                rows_v.at[pl.ds(jj * 128, 128)],
                out_hbm.at[dst_v.at[jj]], sem_s)

        g = [gather(jj) for jj in range(KK)]
        for h in g:
            h.wait()
        s = [scatter(jj) for jj in range(KK)]
        for h in s:
            h.wait()
        return carry

    lax.fori_loop(0, N_CHUNK, chunk, 0)


def _sc_gather(flat_table, idx_w, dst_w):
    mesh = plsc.VectorSubcoreMesh(core_axis_name="c", subcore_axis_name="s")
    k = functools.partial(
        pl.kernel,
        mesh=mesh,
        out_type=jax.ShapeDtypeStruct((N_OUT, EMB), jnp.float32),
        scratch_types=[
            pltpu.VMEM((KK, 128), jnp.int32),
            pltpu.VMEM((KK, 128), jnp.int32),
            pltpu.VMEM((CSZ, EMB), jnp.float32),
            pltpu.SemaphoreType.DMA,
            pltpu.SemaphoreType.DMA,
        ],
        compiler_params=pltpu.CompilerParams(use_tc_tiling_on_sc=False),
    )(_sc_gather_body)
    return k(flat_table, idx_w, dst_w)




def _rnn_body(xf_ref, xb_ref, wihf, whhf, bihf, bhhf,
              wihb, whhb, bihb, bhhb, w1t, b1, w2t, b2,
              out_ref, hf, hb, mxf, mxb, smf, smb):
    t = pl.program_id(0)

    @pl.when(t == 0)
    def _init():
        z = jnp.zeros((B, H), jnp.float32)
        ninf = jnp.full((B, H), -jnp.inf, jnp.float32)
        hf[...] = z
        hb[...] = z
        smf[...] = z
        smb[...] = z
        mxf[...] = ninf
        mxb[...] = ninf

    def gru_step(x, h, wih, whh, bih, bhh):
        gi = jnp.dot(x, wih[...], preferred_element_type=jnp.float32) + bih[...]
        gh = jnp.dot(h, whh[...], preferred_element_type=jnp.float32) + bhh[...]
        i_r, i_z, i_n = gi[:, :H], gi[:, H:2 * H], gi[:, 2 * H:]
        h_r, h_z, h_n = gh[:, :H], gh[:, H:2 * H], gh[:, 2 * H:]
        r = jax.nn.sigmoid(i_r + h_r)
        z = jax.nn.sigmoid(i_z + h_z)
        n = jnp.tanh(i_n + r * h_n)
        return (1.0 - z) * n + z * h

    lane = lax.broadcasted_iota(jnp.int32, (B, D_P), 1)
    xf = jnp.where(lane < D, xf_ref[0], 0.0)
    xb = jnp.where(lane < D, xb_ref[0], 0.0)
    hf_new = gru_step(xf, hf[...], wihf, whhf, bihf, bhhf)
    hb_new = gru_step(xb, hb[...], wihb, whhb, bihb, bhhb)
    hf[...] = hf_new
    hb[...] = hb_new
    mxf[...] = jnp.maximum(mxf[...], hf_new)
    mxb[...] = jnp.maximum(mxb[...], hb_new)
    smf[...] = smf[...] + hf_new
    smb[...] = smb[...] + hb_new

    @pl.when(t == L - 1)
    def _final():
        inv_l = jnp.float32(1.0 / L)
        combined = jnp.concatenate(
            [mxf[...], mxb[...], smf[...] * inv_l, smb[...] * inv_l], axis=1)
        h1 = jnp.maximum(
            jnp.dot(combined, w1t[...], preferred_element_type=jnp.float32)
            + b1[...], 0.0)
        logit = jnp.dot(h1, w2t[...], preferred_element_type=jnp.float32) + b2[...]
        out_ref[...] = logit


def _rnn_call(x, wihf_t, whhf_t, bihf, bhhf, wihb_t, whhb_t, bihb, bhhb,
              w1t, b1, w2t, b2, interpret=False):
    full = lambda s: pl.BlockSpec(s, lambda t: (0,) * len(s))
    return pl.pallas_call(
        _rnn_body,
        grid=(L,),
        in_specs=[
            pl.BlockSpec((1, B, D_P), lambda t: (t, 0, 0)),
            pl.BlockSpec((1, B, D_P), lambda t: (L - 1 - t, 0, 0)),
            full((D_P, 3 * H)), full((H, 3 * H)), full((1, 3 * H)), full((1, 3 * H)),
            full((D_P, 3 * H)), full((H, 3 * H)), full((1, 3 * H)), full((1, 3 * H)),
            full((4 * H, TOP)), full((1, TOP)), full((TOP, 1)), full((1, 1)),
        ],
        out_specs=pl.BlockSpec((B, 1), lambda t: (0, 0)),
        out_shape=jax.ShapeDtypeStruct((B, 1), jnp.float32),
        scratch_shapes=[pltpu.VMEM((B, H), jnp.float32)] * 6,
        compiler_params=pltpu.CompilerParams(
            dimension_semantics=("arbitrary",)),
        interpret=interpret,
    )(x, x, wihf_t, whhf_t, bihf, bhhf, wihb_t, whhb_t, bihb, bhhb,
      w1t, b1, w2t, b2)


def kernel(transactions_cat_features, emb_tables, W_ih_f, W_hh_f, b_ih_f,
           b_hh_f, W_ih_b, W_hh_b, b_ih_b, b_hh_b, W1, b1, W2, b2):
    table_p = jnp.pad(emb_tables, ((0, 0), (0, VOCAB_P - VOCAB), (0, 0)))
    f_ax = jnp.arange(N_FEAT, dtype=jnp.int32)[:, None, None]
    b_ax = jnp.arange(B, dtype=jnp.int32)[None, :, None]
    t_ax = jnp.arange(L, dtype=jnp.int32)[None, None, :]
    dst_nat = t_ax * (B * SLOT) + b_ax * SLOT + f_ax
    idx_w = transactions_cat_features.reshape(N_TOT // 128, 128)
    dst_w = jnp.broadcast_to(
        dst_nat, transactions_cat_features.shape).reshape(N_TOT // 128, 128)

    x = _sc_gather(table_p, idx_w, dst_w).reshape(L, B, D_P)

    wpad = lambda w: jnp.pad(w.T, ((0, D_P - D), (0, 0)))
    logit = _rnn_call(
        x,
        wpad(W_ih_f), W_hh_f.T, b_ih_f.reshape(1, -1), b_hh_f.reshape(1, -1),
        wpad(W_ih_b), W_hh_b.T, b_ih_b.reshape(1, -1), b_hh_b.reshape(1, -1),
        W1.T, b1.reshape(1, -1), W2.T, b2.reshape(1, -1))
    return logit

# --- scband reference (transcript-rebuilt; emitter-appended) ---
"""Pipeline reference for scband-transactions-rnn-64149631533244 (READ-ONLY COPY).

The authoritative reference and input builder live on the scoring server;
editing this copy changes nothing except your own understanding.
"""

import jax, jax.numpy as jnp
import numpy as np

N_FEAT = 26
VOCAB = 100001
EMB = 16
B = 1024
L = 200
H = 128
D = N_FEAT * EMB
TOP = 32


def _gru_scan(xs, Wih, Whh, bih, bhh):
    h0 = jnp.zeros((xs.shape[1], Whh.shape[1]), xs.dtype)
    def step(h, x_t):
        gi = x_t @ Wih.T + bih
        gh = h @ Whh.T + bhh
        i_r, i_z, i_n = jnp.split(gi, 3, axis=-1)
        h_r, h_z, h_n = jnp.split(gh, 3, axis=-1)
        r = jax.nn.sigmoid(i_r + h_r)
        z = jax.nn.sigmoid(i_z + h_z)
        n = jnp.tanh(i_n + r * h_n)
        h_new = (1.0 - z) * n + z * h
        return h_new, h_new
    _, ys = jax.lax.scan(step, h0, xs)
    return ys


def setup_inputs(seed: int = 0):
    key = jax.random.key(seed)
    ks = jax.random.split(key, 16)
    idx = jax.random.randint(ks[0], (N_FEAT, B, L), 0, 100000, dtype=jnp.int32)
    emb_tables = jax.random.normal(ks[1], (N_FEAT, VOCAB, EMB), jnp.float32) * 0.05
    W_ih_f = jax.random.normal(ks[2], (3 * H, D), jnp.float32) * 0.05
    W_hh_f = jax.random.normal(ks[3], (3 * H, H), jnp.float32) * 0.05
    b_ih_f = jax.random.normal(ks[4], (3 * H,), jnp.float32) * 0.05
    b_hh_f = jax.random.normal(ks[5], (3 * H,), jnp.float32) * 0.05
    W_ih_b = jax.random.normal(ks[6], (3 * H, D), jnp.float32) * 0.05
    W_hh_b = jax.random.normal(ks[7], (3 * H, H), jnp.float32) * 0.05
    b_ih_b = jax.random.normal(ks[8], (3 * H,), jnp.float32) * 0.05
    b_hh_b = jax.random.normal(ks[9], (3 * H,), jnp.float32) * 0.05
    W1 = jax.random.normal(ks[10], (TOP, 4 * H), jnp.float32) * 0.05
    b1 = jax.random.normal(ks[11], (TOP,), jnp.float32) * 0.05
    W2 = jax.random.normal(ks[12], (1, TOP), jnp.float32) * 0.05
    b2 = jax.random.normal(ks[13], (1,), jnp.float32) * 0.05
    return {"transactions_cat_features": idx, "emb_tables": emb_tables,
            "W_ih_f": W_ih_f, "W_hh_f": W_hh_f, "b_ih_f": b_ih_f, "b_hh_f": b_hh_f,
            "W_ih_b": W_ih_b, "W_hh_b": W_hh_b, "b_ih_b": b_ih_b, "b_hh_b": b_hh_b,
            "W1": W1, "b1": b1, "W2": W2, "b2": b2}


def reference(transactions_cat_features, emb_tables, W_ih_f, W_hh_f, b_ih_f, b_hh_f,
              W_ih_b, W_hh_b, b_ih_b, b_hh_b, W1, b1, W2, b2):
    # per-feature embedding lookup: [F, B, L] -> [F, B, L, EMB]
    e = jax.vmap(lambda t, i: jnp.take(t, i, axis=0))(emb_tables, transactions_cat_features)
    # concat feature embeddings along last dim (feature order preserved): [B, L, F*EMB]
    x = jnp.transpose(e, (1, 2, 0, 3)).reshape(e.shape[1], e.shape[2], -1)
    # spatial dropout is identity in eval mode
    xs = jnp.transpose(x, (1, 0, 2))  # [L, B, D]
    ys_f = _gru_scan(xs, W_ih_f, W_hh_f, b_ih_f, b_hh_f)
    ys_b = _gru_scan(xs[::-1], W_ih_b, W_hh_b, b_ih_b, b_hh_b)[::-1]
    states = jnp.concatenate([ys_f, ys_b], axis=-1)  # [L, B, 2H]
    states = jnp.transpose(states, (1, 0, 2))  # [B, L, 2H]
    rnn_max_pool = jnp.max(states, axis=1)
    rnn_avg_pool = jnp.sum(states, axis=1) / states.shape[1]
    combined = jnp.concatenate([rnn_max_pool, rnn_avg_pool], axis=-1)
    h1 = jax.nn.relu(combined @ W1.T + b1)
    logit = h1 @ W2.T + b2
    return logit

if __name__ == "__main__":
    import jax
    _d = setup_inputs()
    print(jax.jit(kernel)(*tuple(_d.values())))

</pallas_src>

<mosaic_0001>
#map = affine_map<(d0, d1) -> (0, 0, 0)>
#map1 = affine_map<(d0, d1) -> (0, 0)>
module attributes {stable_mosaic.version = 14 : i64} {
  func.func @_sc_gather_body(%arg0: i32, %arg1: i32, %arg2: memref<26x100032x16xf32, #tpu.memory_space<hbm>>, %arg3: memref<41600x128xi32, #tpu.memory_space<hbm>>, %arg4: memref<41600x128xi32, #tpu.memory_space<hbm>>, %arg5: memref<6553600x16xf32, #tpu.memory_space<hbm>>, %arg6: memref<10x128xi32, #tpu.memory_space<vmem>>, %arg7: memref<10x128xi32, #tpu.memory_space<vmem>>, %arg8: memref<1280x16xf32, #tpu.memory_space<vmem>>, %arg9: memref<!tpu.dma_semaphore, #tpu.memory_space<semaphore_mem>>, %arg10: memref<!tpu.dma_semaphore, #tpu.memory_space<semaphore_mem>>) attributes {dimension_semantics = [#tpu.dimension_semantics<core_parallel>, #tpu.dimension_semantics<subcore_parallel>], iteration_bounds = array<i64: 2, 16>, scalar_prefetch = 0 : i64, scratch_operands = 5 : i64, tpu.core_type = #tpu.core_type<sc_vector_subcore>, window_params = [{transform_indices = #map}, {transform_indices = #map1}, {transform_indices = #map1}, {transform_indices = #map1}]} {
    %mul3A = arith.constant 2 : i32
    %mul3A_0 = arith.muli %arg1, %mul3A : i32
    %add3A = arith.addi %mul3A_0, %arg0 : i32
    %mul3A_1 = arith.constant 1300 : i32
    %mul3A_2 = arith.muli %add3A, %mul3A_1 : i32
    %scan3A = arith.constant 0 : i32
    %scan3A_3 = arith.constant 0 : i32
    %scan3A_4 = arith.constant 130 : i32
    %scan3A_5 = arith.addi %scan3A_3, %scan3A_4 : i32
    %scan3A_6 = arith.constant 1 : i32
    scf.for %scan3A_8 = %scan3A_3 to %scan3A_5 step %scan3A_6  : i32 {
      %mul3A_9 = arith.constant 130 : i32
      %mul3A_10 = arith.muli %add3A, %mul3A_9 : i32
      %add3A_11 = arith.addi %mul3A_10, %scan3A_8 : i32
      %jit3A = arith.constant 160 : i32
      %div3A = arith.divsi %add3A_11, %jit3A : i32
      %sign3A = arith.constant 0 : i32
      %sign3A_12 = arith.cmpi sgt, %add3A_11, %sign3A : i32
      %sign3A_13 = arith.extui %sign3A_12 : i1 to i32
      %sign3A_14 = arith.constant 0 : i32
      %sign3A_15 = arith.cmpi slt, %add3A_11, %sign3A_14 : i32
      %sign3A_16 = arith.extui %sign3A_15 : i1 to i32
      %sign3A_17 = arith.subi %sign3A_13, %sign3A_16 : i32
      %sign3A_18 = arith.constant 0 : i32
      %sign3A_19 = arith.cmpi sgt, %jit3A, %sign3A_18 : i32
      %sign3A_20 = arith.extui %sign3A_19 : i1 to i32
      %sign3A_21 = arith.constant 0 : i32
      %sign3A_22 = arith.cmpi slt, %jit3A, %sign3A_21 : i32
      %sign3A_23 = arith.extui %sign3A_22 : i1 to i32
      %sign3A_24 = arith.subi %sign3A_20, %sign3A_23 : i32
      %ne3A = arith.cmpi ne, %sign3A_17, %sign3A_24 : i32
      %rem3A = arith.remsi %add3A_11, %jit3A : i32
      %ne3A_25 = arith.constant 0 : i32
      %ne3A_26 = arith.cmpi ne, %rem3A, %ne3A_25 : i32
      %and3A = arith.andi %ne3A, %ne3A_26 : i1
      %sub3A = arith.constant 1 : i32
      %sub3A_27 = arith.subi %div3A, %sub3A : i32
      %select_n3A = arith.select %and3A, %sub3A_27, %div3A : i32
      %mul3A_28 = arith.constant 10 : i32
      %mul3A_29 = arith.muli %scan3A_8, %mul3A_28 : i32
      %add3A_30 = arith.addi %mul3A_2, %mul3A_29 : i32
      "tpu.region"() ({
        %run_scoped3A = tpu.sem_alloc : memref<!tpu.dma_semaphore, #tpu.memory_space<semaphore_mem>>
        %dma_start3A_512 = arith.constant 0 : i32
        %dma_start3A_513 = tpu.memref_slice %arg3[%add3A_30, %dma_start3A_512] : memref<41600x128xi32, #tpu.memory_space<hbm>> -> memref<10x128xi32, #tpu.memory_space<hbm>>
        %dma_start3A_514 = arith.constant 0 : i32
        %dma_start3A_515 = tpu.memref_slice %arg3[%add3A_30, %dma_start3A_514] : memref<41600x128xi32, #tpu.memory_space<hbm>> -> memref<10x128xi32, #tpu.memory_space<hbm>>
        tpu.enqueue_dma source(%dma_start3A_515 : memref<10x128xi32, #tpu.memory_space<hbm>>) target(%arg6 : memref<10x128xi32, #tpu.memory_space<vmem>>) target_semaphore(%run_scoped3A : memref<!tpu.dma_semaphore, #tpu.memory_space<semaphore_mem>>)
        %dma_wait3A_516 = arith.constant 0 : i32
        %dma_wait3A_517 = tpu.memref_slice %arg3[%add3A_30, %dma_wait3A_516] : memref<41600x128xi32, #tpu.memory_space<hbm>> -> memref<10x128xi32, #tpu.memory_space<hbm>>
        %dma_wait3A_518 = arith.constant 0 : i32
        %dma_wait3A_519 = tpu.memref_slice %arg3[%add3A_30, %dma_wait3A_518] : memref<41600x128xi32, #tpu.memory_space<hbm>> -> memref<10x128xi32, #tpu.memory_space<hbm>>
        tpu.wait_dma2 semaphore(%run_scoped3A : memref<!tpu.dma_semaphore, #tpu.memory_space<semaphore_mem>>) src(%dma_wait3A_519 : memref<10x128xi32, #tpu.memory_space<hbm>>) dst(%arg6 : memref<10x128xi32, #tpu.memory_space<vmem>>)
        tpu.yield
      }) : () -> ()
      %mul3A_31 = arith.constant 10 : i32
      %mul3A_32 = arith.muli %scan3A_8, %mul3A_31 : i32
      %add3A_33 = arith.addi %mul3A_2, %mul3A_32 : i32
      "tpu.region"() ({
        %run_scoped3A = tpu.sem_alloc : memref<!tpu.dma_semaphore, #tpu.memory_space<semaphore_mem>>
        %dma_start3A_512 = arith.constant 0 : i32
        %dma_start3A_513 = tpu.memref_slice %arg4[%add3A_33, %dma_start3A_512] : memref<41600x128xi32, #tpu.memory_space<hbm>> -> memref<10x128xi32, #tpu.memory_space<hbm>>
        %dma_start3A_514 = arith.constant 0 : i32
        %dma_start3A_515 = tpu.memref_slice %arg4[%add3A_33, %dma_start3A_514] : memref<41600x128xi32, #tpu.memory_space<hbm>> -> memref<10x128xi32, #tpu.memory_space<hbm>>
        tpu.enqueue_dma source(%dma_start3A_515 : memref<10x128xi32, #tpu.memory_space<hbm>>) target(%arg7 : memref<10x128xi32, #tpu.memory_space<vmem>>) target_semaphore(%run_scoped3A : memref<!tpu.dma_semaphore, #tpu.memory_space<semaphore_mem>>)
        %dma_wait3A_516 = arith.constant 0 : i32
        %dma_wait3A_517 = tpu.memref_slice %arg4[%add3A_33, %dma_wait3A_516] : memref<41600x128xi32, #tpu.memory_space<hbm>> -> memref<10x128xi32, #tpu.memory_space<hbm>>
        %dma_wait3A_518 = arith.constant 0 : i32
        %dma_wait3A_519 = tpu.memref_slice %arg4[%add3A_33, %dma_wait3A_518] : memref<41600x128xi32, #tpu.memory_space<hbm>> -> memref<10x128xi32, #tpu.memory_space<hbm>>
        tpu.wait_dma2 semaphore(%run_scoped3A : memref<!tpu.dma_semaphore, #tpu.memory_space<semaphore_mem>>) src(%dma_wait3A_519 : memref<10x128xi32, #tpu.memory_space<hbm>>) dst(%arg7 : memref<10x128xi32, #tpu.memory_space<vmem>>)
        tpu.yield
      }) : () -> ()
      %dma_start3A = arith.constant 0 : i32
      %dma_start3A_34 = arith.constant 0 : i32
      %dma_start3A_35 = arith.constant 0 : i32
      %dma_start3A_36 = tpu.memref_slice %arg8[%dma_start3A_34, %dma_start3A_35] : memref<1280x16xf32, #tpu.memory_space<vmem>> -> memref<128x16xf32, #tpu.memory_space<vmem>>
      %dma_start3A_37 = arith.constant 0 : i32
      %dma_start3A_38 = tpu.memref_slice %arg6[%dma_start3A, %dma_start3A_37] : memref<10x128xi32, #tpu.memory_space<vmem>> -> memref<1x128xi32, #tpu.memory_space<vmem>>
      %dma_start3A_39 = tpu.memref_squeeze %dma_start3A_38 : memref<1x128xi32, #tpu.memory_space<vmem>> -> memref<128xi32, #tpu.memory_space<vmem>>
      %dma_start3A_40 = arith.constant 0 : i32
      %dma_start3A_41 = arith.constant 0 : i32
      %dma_start3A_42 = tpu.memref_slice %arg2[%select_n3A, %dma_start3A_40, %dma_start3A_41] : memref<26x100032x16xf32, #tpu.memory_space<hbm>> -> memref<1x100032x16xf32, #tpu.memory_space<hbm>>
      %dma_start3A_43 = tpu.memref_squeeze %dma_start3A_42 : memref<1x100032x16xf32, #tpu.memory_space<hbm>> -> memref<100032x16xf32, #tpu.memory_space<hbm>>
      %dma_start3A_44 = arith.constant 0 : i32
      %dma_start3A_45 = arith.constant 0 : i32
      %dma_start3A_46 = tpu.memref_slice %dma_start3A_43[%dma_start3A_44, %dma_start3A_45] : memref<100032x16xf32, #tpu.memory_space<hbm>> -> memref<100032x16xf32, #tpu.memory_space<hbm>>
      tpu.enqueue_indirect_dma source(%dma_start3A_46 : memref<100032x16xf32, #tpu.memory_space<hbm>>) target(%dma_start3A_36 : memref<128x16xf32, #tpu.memory_space<vmem>>) offsets(%dma_start3A_39 : memref<128xi32, #tpu.memory_space<vmem>>) semaphore(%arg9 : memref<!tpu.dma_semaphore, #tpu.memory_space<semaphore_mem>>)
      %dma_start3A_47 = arith.constant 1 : i32
      %dma_start3A_48 = arith.constant 128 : i32
      %dma_start3A_49 = arith.constant 0 : i32
      %dma_start3A_50 = tpu.memref_slice %arg8[%dma_start3A_48, %dma_start3A_49] : memref<1280x16xf32, #tpu.memory_space<vmem>> -> memref<128x16xf32, #tpu.memory_space<vmem>>
      %dma_start3A_51 = arith.constant 0 : i32
      %dma_start3A_52 = tpu.memref_slice %arg6[%dma_start3A_47, %dma_start3A_51] : memref<10x128xi32, #tpu.memory_space<vmem>> -> memref<1x128xi32, #tpu.memory_space<vmem>>
      %dma_start3A_53 = tpu.memref_squeeze %dma_start3A_52 : memref<1x128xi32, #tpu.memory_space<vmem>> -> memref<128xi32, #tpu.memory_space<vmem>>
      %dma_start3A_54 = arith.constant 0 : i32
      %dma_start3A_55 = arith.constant 0 : i32
      %dma_start3A_56 = tpu.memref_slice %arg2[%select_n3A, %dma_start3A_54, %dma_start3A_55] : memref<26x100032x16xf32, #tpu.memory_space<hbm>> -> memref<1x100032x16xf32, #tpu.memory_space<hbm>>
      %dma_start3A_57 = tpu.memref_squeeze %dma_start3A_56 : memref<1x100032x16xf32, #tpu.memory_space<hbm>> -> memref<100032x16xf32, #tpu.memory_space<hbm>>
      %dma_start3A_58 = arith.constant 0 : i32
      %dma_start3A_59 = arith.constant 0 : i32
      %dma_start3A_60 = tpu.memref_slice %dma_start3A_57[%dma_start3A_58, %dma_start3A_59] : memref<100032x16xf32, #tpu.memory_space<hbm>> -> memref<100032x16xf32, #tpu.memory_space<hbm>>
      tpu.enqueue_indirect_dma source(%dma_start3A_60 : memref<100032x16xf32, #tpu.memory_space<hbm>>) target(%dma_start3A_50 : memref<128x16xf32, #tpu.memory_space<vmem>>) offsets(%dma_start3A_53 : memref<128xi32, #tpu.memory_space<vmem>>) semaphore(%arg9 : memref<!tpu.dma_semaphore, #tpu.memory_space<semaphore_mem>>)
      %dma_start3A_61 = arith.constant 2 : i32
      %dma_start3A_62 = arith.constant 256 : i32
      %dma_start3A_63 = arith.constant 0 : i32
      %dma_start3A_64 = tpu.memref_slice %arg8[%dma_start3A_62, %dma_start3A_63] : memref<1280x16xf32, #tpu.memory_space<vmem>> -> memref<128x16xf32, #tpu.memory_space<vmem>>
      %dma_start3A_65 = arith.constant 0 : i32
      %dma_start3A_66 = tpu.memref_slice %arg6[%dma_start3A_61, %dma_start3A_65] : memref<10x128xi32, #tpu.memory_space<vmem>> -> memref<1x128xi32, #tpu.memory_space<vmem>>
      %dma_start3A_67 = tpu.memref_squeeze %dma_start3A_66 : memref<1x128xi32, #tpu.memory_space<vmem>> -> memref<128xi32, #tpu.memory_space<vmem>>
      %dma_start3A_68 = arith.constant 0 : i32
      %dma_start3A_69 = arith.constant 0 : i32
      %dma_start3A_70 = tpu.memref_slice %arg2[%select_n3A, %dma_start3A_68, %dma_start3A_69] : memref<26x100032x16xf32, #tpu.memory_space<hbm>> -> memref<1x100032x16xf32, #tpu.memory_space<hbm>>
      %dma_start3A_71 = tpu.memref_squeeze %dma_start3A_70 : memref<1x100032x16xf32, #tpu.memory_space<hbm>> -> memref<100032x16xf32, #tpu.memory_space<hbm>>
      %dma_start3A_72 = arith.constant 0 : i32
      %dma_start3A_73 = arith.constant 0 : i32
      %dma_start3A_74 = tpu.memref_slice %dma_start3A_71[%dma_start3A_72, %dma_start3A_73] : memref<100032x16xf32, #tpu.memory_space<hbm>> -> memref<100032x16xf32, #tpu.memory_space<hbm>>
      tpu.enqueue_indirect_dma source(%dma_start3A_74 : memref<100032x16xf32, #tpu.memory_space<hbm>>) target(%dma_start3A_64 : memref<128x16xf32, #tpu.memory_space<vmem>>) offsets(%dma_start3A_67 : memref<128xi32, #tpu.memory_space<vmem>>) semaphore(%arg9 : memref<!tpu.dma_semaphore, #tpu.memory_space<semaphore_mem>>)
      %dma_start3A_75 = arith.constant 3 : i32
      %dma_start3A_76 = arith.constant 384 : i32
      %dma_start3A_77 = arith.constant 0 : i32
      %dma_start3A_78 = tpu.memref_slice %arg8[%dma_start3A_76, %dma_start3A_77] : memref<1280x16xf32, #tpu.memory_space<vmem>> -> memref<128x16xf32, #tpu.memory_space<vmem>>
      %dma_start3A_79 = arith.constant 0 : i32
      %dma_start3A_80 = tpu.memref_slice %arg6[%dma_start3A_75, %dma_start3A_79] : memref<10x128xi32, #tpu.memory_space<vmem>> -> memref<1x128xi32, #tpu.memory_space<vmem>>
      %dma_start3A_81 = tpu.memref_squeeze %dma_start3A_80 : memref<1x128xi32, #tpu.memory_space<vmem>> -> memref<128xi32, #tpu.memory_space<vmem>>
      %dma_start3A_82 = arith.constant 0 : i32
      %dma_start3A_83 = arith.constant 0 : i32
      %dma_start3A_84 = tpu.memref_slice %arg2[%select_n3A, %dma_start3A_82, %dma_start3A_83] : memref<26x100032x16xf32, #tpu.memory_space<hbm>> -> memref<1x100032x16xf32, #tpu.memory_space<hbm>>
      %dma_start3A_85 = tpu.memref_squeeze %dma_start3A_84 : memref<1x100032x16xf32, #tpu.memory_space<hbm>> -> memref<100032x16xf32, #tpu.memory_space<hbm>>
      %dma_start3A_86 = arith.constant 0 : i32
      %dma_start3A_87 = arith.constant 0 : i32
      %dma_start3A_88 = tpu.memref_slice %dma_start3A_85[%dma_start3A_86, %dma_start3A_87] : memref<100032x16xf32, #tpu.memory_space<hbm>> -> memref<100032x16xf32, #tpu.memory_space<hbm>>
      tpu.enqueue_indirect_dma source(%dma_start3A_88 : memref<100032x16xf32, #tpu.memory_space<hbm>>) target(%dma_start3A_78 : memref<128x16xf32, #tpu.memory_space<vmem>>) offsets(%dma_start3A_81 : memref<128xi32, #tpu.memory_space<vmem>>) semaphore(%arg9 : memref<!tpu.dma_semaphore, #tpu.memory_space<semaphore_mem>>)
      %dma_start3A_89 = arith.constant 4 : i32
      %dma_start3A_90 = arith.constant 512 : i32
      %dma_start3A_91 = arith.constant 0 : i32
      %dma_start3A_92 = tpu.memref_slice %arg8[%dma_start3A_90, %dma_start3A_91] : memref<1280x16xf32, #tpu.memory_space<vmem>> -> memref<128x16xf32, #tpu.memory_space<vmem>>
      %dma_start3A_93 = arith.constant 0 : i32
      %dma_start3A_94 = tpu.memref_slice %arg6[%dma_start3A_89, %dma_start3A_93] : memref<10x128xi32, #tpu.memory_space<vmem>> -> memref<1x128xi32, #tpu.memory_space<vmem>>
      %dma_start3A_95 = tpu.memref_squeeze %dma_start3A_94 : memref<1x128xi32, #tpu.memory_space<vmem>> -> memref<128xi32, #tpu.memory_space<vmem>>
      %dma_start3A_96 = arith.constant 0 : i32
      %dma_start3A_97 = arith.constant 0 : i32
      %dma_start3A_98 = tpu.memref_slice %arg2[%select_n3A, %dma_start3A_96, %dma_start3A_97] : memref<26x100032x16xf32, #tpu.memory_space<hbm>> -> memref<1x100032x16xf32, #tpu.memory_space<hbm>>
      %dma_start3A_99 = tpu.memref_squeeze %dma_start3A_98 : memref<1x100032x16xf32, #tpu.memory_space<hbm>> -> memref<100032x16xf32, #tpu.memory_space<hbm>>
      %dma_start3A_100 = arith.constant 0 : i32
      %dma_start3A_101 = arith.constant 0 : i32
      %dma_start3A_102 = tpu.memref_slice %dma_start3A_99[%dma_start3A_100, %dma_start3A_101] : memref<100032x16xf32, #tpu.memory_space<hbm>> -> memref<100032x16xf32, #tpu.memory_space<hbm>>
      tpu.enqueue_indirect_dma source(%dma_start3A_102 : memref<100032x16xf32, #tpu.memory_space<hbm>>) target(%dma_start3A_92 : memref<128x16xf32, #tpu.memory_space<vmem>>) offsets(%dma_start3A_95 : memref<128xi32, #tpu.memory_space<vmem>>) semaphore(%arg9 : memref<!tpu.dma_semaphore, #tpu.memory_space<semaphore_mem>>)
      %dma_start3A_103 = arith.constant 5 : i32
      %dma_start3A_104 = arith.constant 640 : i32
      %dma_start3A_105 = arith.constant 0 : i32
      %dma_start3A_106 = tpu.memref_slice %arg8[%dma_start3A_104, %dma_start3A_105] : memref<1280x16xf32, #tpu.memory_space<vmem>> -> memref<128x16xf32, #tpu.memory_space<vmem>>
      %dma_start3A_107 = arith.constant 0 : i32
      %dma_start3A_108 = tpu.memref_slice %arg6[%dma_start3A_103, %dma_start3A_107] : memref<10x128xi32, #tpu.memory_space<vmem>> -> memref<1x128xi32, #tpu.memory_space<vmem>>
      %dma_start3A_109 = tpu.memref_squeeze %dma_start3A_108 : memref<1x128xi32, #tpu.memory_space<vmem>> -> memref<128xi32, #tpu.memory_space<vmem>>
      %dma_start3A_110 = arith.constant 0 : i32
      %dma_start3A_111 = arith.constant 0 : i32
      %dma_start3A_112 = tpu.memref_slice %arg2[%select_n3A, %dma_start3A_110, %dma_start3A_111] : memref<26x100032x16xf32, #tpu.memory_space<hbm>> -> memref<1x100032x16xf32, #tpu.memory_space<hbm>>
      %dma_start3A_113 = tpu.memref_squeeze %dma_start3A_112 : memref<1x100032x16xf32, #tpu.memory_space<hbm>> -> memref<100032x16xf32, #tpu.memory_space<hbm>>
      %dma_start3A_114 = arith.constant 0 : i32
      %dma_start3A_115 = arith.constant 0 : i32
      %dma_start3A_116 = tpu.memref_slice %dma_start3A_113[%dma_start3A_114, %dma_start3A_115] : memref<100032x16xf32, #tpu.memory_space<hbm>> -> memref<100032x16xf32, #tpu.memory_space<hbm>>
      tpu.enqueue_indirect_dma source(%dma_start3A_116 : memref<100032x16xf32, #tpu.memory_space<hbm>>) target(%dma_start3A_106 : memref<128x16xf32, #tpu.memory_space<vmem>>) offsets(%dma_start3A_109 : memref<128xi32, #tpu.memory_space<vmem>>) semaphore(%arg9 : memref<!tpu.dma_semaphore, #tpu.memory_space<semaphore_mem>>)
      %dma_start3A_117 = arith.constant 6 : i32
      %dma_start3A_118 = arith.constant 768 : i32
      %dma_start3A_119 = arith.constant 0 : i32
      %dma_start3A_120 = tpu.memref_slice %arg8[%dma_start3A_118, %dma_start3A_119] : memref<1280x16xf32, #tpu.memory_space<vmem>> -> memref<128x16xf32, #tpu.memory_space<vmem>>
      %dma_start3A_121 = arith.constant 0 : i32
      %dma_start3A_122 = tpu.memref_slice %arg6[%dma_start3A_117, %dma_start3A_121] : memref<10x128xi32, #tpu.memory_space<vmem>> -> memref<1x128xi32, #tpu.memory_space<vmem>>
      %dma_start3A_123 = tpu.memref_squeeze %dma_start3A_122 : memref<1x128xi32, #tpu.memory_space<vmem>> -> memref<128xi32, #tpu.memory_space<vmem>>
      %dma_start3A_124 = arith.constant 0 : i32
      %dma_start3A_125 = arith.constant 0 : i32
      %dma_start3A_126 = tpu.memref_slice %arg2[%select_n3A, %dma_start3A_124, %dma_start3A_125] : memref<26x100032x16xf32, #tpu.memory_space<hbm>> -> memref<1x100032x16xf32, #tpu.memory_space<hbm>>
      %dma_start3A_127 = tpu.memref_squeeze %dma_start3A_126 : memref<1x100032x16xf32, #tpu.memory_space<hbm>> -> memref<100032x16xf32, #tpu.memory_space<hbm>>
      %dma_start3A_128 = arith.constant 0 : i32
      %dma_start3A_129 = arith.constant 0 : i32
      %dma_start3A_130 = tpu.memref_slice %dma_start3A_127[%dma_start3A_128, %dma_start3A_129] : memref<100032x16xf32, #tpu.memory_space<hbm>> -> memref<100032x16xf32, #tpu.memory_space<hbm>>
      tpu.enqueue_indirect_dma source(%dma_start3A_130 : memref<100032x16xf32, #tpu.memory_space<hbm>>) target(%dma_start3A_120 : memref<128x16xf32, #tpu.memory_space<vmem>>) offsets(%dma_start3A_123 : memref<128xi32, #tpu.memory_space<vmem>>) semaphore(%arg9 : memref<!tpu.dma_semaphore, #tpu.memory_space<semaphore_mem>>)
      %dma_start3A_131 = arith.constant 7 : i32
      %dma_start3A_132 = arith.constant 896 : i32
      %dma_start3A_133 = arith.constant 0 : i32
      %dma_start3A_134 = tpu.memref_slice %arg8[%dma_start3A_132, %dma_start3A_133] : memref<1280x16xf32, #tpu.memory_space<vmem>> -> memref<128x16xf32, #tpu.memory_space<vmem>>
      %dma_start3A_135 = arith.constant 0 : i32
      %dma_start3A_136 = tpu.memref_slice %arg6[%dma_start3A_131, %dma_start3A_135] : memref<10x128xi32, #tpu.memory_space<vmem>> -> memref<1x128xi32, #tpu.memory_space<vmem>>
      %dma_start3A_137 = tpu.memref_squeeze %dma_start3A_136 : memref<1x128xi32, #tpu.memory_space<vmem>> -> memref<128xi32, #tpu.memory_space<vmem>>
      %dma_start3A_138 = arith.constant 0 : i32
      %dma_start3A_139 = arith.constant 0 : i32
      %dma_start3A_140 = tpu.memref_slice %arg2[%select_n3A, %dma_start3A_138, %dma_start3A_139] : memref<26x100032x16xf32, #tpu.memory_space<hbm>> -> memref<1x100032x16xf32, #tpu.memory_space<hbm>>
      %dma_start3A_141 = tpu.memref_squeeze %dma_start3A_140 : memref<1x100032x16xf32, #tpu.memory_space<hbm>> -> memref<100032x16xf32, #tpu.memory_space<hbm>>
      %dma_start3A_142 = arith.constant 0 : i32
      %dma_start3A_143 = arith.constant 0 : i32
      %dma_start3A_144 = tpu.memref_slice %dma_start3A_141[%dma_start3A_142, %dma_start3A_143] : memref<100032x16xf32, #tpu.memory_space<hbm>> -> memref<100032x16xf32, #tpu.memory_space<hbm>>
      tpu.enqueue_indirect_dma source(%dma_start3A_144 : memref<100032x16xf32, #tpu.memory_space<hbm>>) target(%dma_start3A_134 : memref<128x16xf32, #tpu.memory_space<vmem>>) offsets(%dma_start3A_137 : memref<128xi32, #tpu.memory_space<vmem>>) semaphore(%arg9 : memref<!tpu.dma_semaphore, #tpu.memory_space<semaphore_mem>>)
      %dma_start3A_145 = arith.constant 8 : i32
      %dma_start3A_146 = arith.constant 1024 : i32
      %dma_start3A_147 = arith.constant 0 : i32
      %dma_start3A_148 = tpu.memref_slice %arg8[%dma_start3A_146, %dma_start3A_147] : memref<1280x16xf32, #tpu.memory_space<vmem>> -> memref<128x16xf32, #tpu.memory_space<vmem>>
      %dma_start3A_149 = arith.constant 0 : i32
      %dma_start3A_150 = tpu.memref_slice %arg6[%dma_start3A_145, %dma_start3A_149] : memref<10x128xi32, #tpu.memory_space<vmem>> -> memref<1x128xi32, #tpu.memory_space<vmem>>
      %dma_start3A_151 = tpu.memref_squeeze %dma_start3A_150 : memref<1x128xi32, #tpu.memory_space<vmem>> -> memref<128xi32, #tpu.memory_space<vmem>>
      %dma_start3A_152 = arith.constant 0 : i32
      %dma_start3A_153 = arith.constant 0 : i32
      %dma_start3A_154 = tpu.memref_slice %arg2[%select_n3A, %dma_start3A_152, %dma_start3A_153] : memref<26x100032x16xf32, #tpu.memory_space<hbm>> -> memref<1x100032x16xf32, #tpu.memory_space<hbm>>
      %dma_start3A_155 = tpu.memref_squeeze %dma_start3A_154 : memref<1x100032x16xf32, #tpu.memory_space<hbm>> -> memref<100032x16xf32, #tpu.memory_space<hbm>>
      %dma_start3A_156 = arith.constant 0 : i32
      %dma_start3A_157 = arith.constant 0 : i32
      %dma_start3A_158 = tpu.memref_slice %dma_start3A_155[%dma_start3A_156, %dma_start3A_157] : memref<100032x16xf32, #tpu.memory_space<hbm>> -> memref<100032x16xf32, #tpu.memory_space<hbm>>
      tpu.enqueue_indirect_dma source(%dma_start3A_158 : memref<100032x16xf32, #tpu.memory_space<hbm>>) target(%dma_start3A_148 : memref<128x16xf32, #tpu.memory_space<vmem>>) offsets(%dma_start3A_151 : memref<128xi32, #tpu.memory_space<vmem>>) semaphore(%arg9 : memref<!tpu.dma_semaphore, #tpu.memory_space<semaphore_mem>>)
      %dma_start3A_159 = arith.constant 9 : i32
      %dma_start3A_160 = arith.constant 1152 : i32
      %dma_start3A_161 = arith.constant 0 : i32
      %dma_start3A_162 = tpu.memref_slice %arg8[%dma_start3A_160, %dma_start3A_161] : memref<1280x16xf32, #tpu.memory_space<vmem>> -> memref<128x16xf32, #tpu.memory_space<vmem>>
      %dma_start3A_163 = arith.constant 0 : i32
      %dma_start3A_164 = tpu.memref_slice %arg6[%dma_start3A_159, %dma_start3A_163] : memref<10x128xi32, #tpu.memory_space<vmem>> -> memref<1x128xi32, #tpu.memory_space<vmem>>
      %dma_start3A_165 = tpu.memref_squeeze %dma_start3A_164 : memref<1x128xi32, #tpu.memory_space<vmem>> -> memref<128xi32, #tpu.memory_space<vmem>>
      %dma_start3A_166 = arith.constant 0 : i32
      %dma_start3A_167 = arith.constant 0 : i32
      %dma_start3A_168 = tpu.memref_slice %arg2[%select_n3A, %dma_start3A_166, %dma_start3A_167] : memref<26x100032x16xf32, #tpu.memory_space<hbm>> -> memref<1x100032x16xf32, #tpu.memory_space<hbm>>
      %dma_start3A_169 = tpu.memref_squeeze %dma_start3A_168 : memref<1x100032x16xf32, #tpu.memory_space<hbm>> -> memref<100032x16xf32, #tpu.memory_space<hbm>>
      %dma_start3A_170 = arith.constant 0 : i32
      %dma_start3A_171 = arith.constant 0 : i32
      %dma_start3A_172 = tpu.memref_slice %dma_start3A_169[%dma_start3A_170, %dma_start3A_171] : memref<100032x16xf32, #tpu.memory_space<hbm>> -> memref<100032x16xf32, #tpu.memory_space<hbm>>
      tpu.enqueue_indirect_dma source(%dma_start3A_172 : memref<100032x16xf32, #tpu.memory_space<hbm>>) target(%dma_start3A_162 : memref<128x16xf32, #tpu.memory_space<vmem>>) offsets(%dma_start3A_165 : memref<128xi32, #tpu.memory_space<vmem>>) semaphore(%arg9 : memref<!tpu.dma_semaphore, #tpu.memory_space<semaphore_mem>>)
      %dma_wait3A = arith.constant 0 : i32
      %dma_wait3A_173 = arith.constant 0 : i32
      %dma_wait3A_174 = arith.constant 0 : i32
      %dma_wait3A_175 = tpu.memref_slice %arg8[%dma_wait3A_173, %dma_wait3A_174] : memref<1280x16xf32, #tpu.memory_space<vmem>> -> memref<128x16xf32, #tpu.memory_space<vmem>>
      %dma_wait3A_176 = arith.constant 0 : i32
      %dma_wait3A_177 = tpu.memref_slice %arg6[%dma_wait3A, %dma_wait3A_176] : memref<10x128xi32, #tpu.memory_space<vmem>> -> memref<1x128xi32, #tpu.memory_space<vmem>>
      %dma_wait3A_178 = tpu.memref_squeeze %dma_wait3A_177 : memref<1x128xi32, #tpu.memory_space<vmem>> -> memref<128xi32, #tpu.memory_space<vmem>>
      %dma_wait3A_179 = arith.constant 0 : i32
      %dma_wait3A_180 = arith.constant 0 : i32
      %dma_wait3A_181 = tpu.memref_slice %arg2[%select_n3A, %dma_wait3A_179, %dma_wait3A_180] : memref<26x100032x16xf32, #tpu.memory_space<hbm>> -> memref<1x100032x16xf32, #tpu.memory_space<hbm>>
      %dma_wait3A_182 = tpu.memref_squeeze %dma_wait3A_181 : memref<1x100032x16xf32, #tpu.memory_space<hbm>> -> memref<100032x16xf32, #tpu.memory_space<hbm>>
      %dma_wait3A_183 = arith.constant 0 : i32
      %dma_wait3A_184 = arith.constant 0 : i32
      %dma_wait3A_185 = tpu.memref_slice %dma_wait3A_182[%dma_wait3A_183, %dma_wait3A_184] : memref<100032x16xf32, #tpu.memory_space<hbm>> -> memref<100032x16xf32, #tpu.memory_space<hbm>>
      tpu.wait_indirect_dma semaphore(%arg9 : memref<!tpu.dma_semaphore, #tpu.memory_space<semaphore_mem>>) src(%dma_wait3A_185 : memref<100032x16xf32, #tpu.memory_space<hbm>>) dst(%dma_wait3A_175 : memref<128x16xf32, #tpu.memory_space<vmem>>)
      %dma_wait3A_186 = arith.constant 1 : i32
      %dma_wait3A_187 = arith.constant 128 : i32
      %dma_wait3A_188 = arith.constant 0 : i32
      %dma_wait3A_189 = tpu.memref_slice %arg8[%dma_wait3A_187, %dma_wait3A_188] : memref<1280x16xf32, #tpu.memory_space<vmem>> -> memref<128x16xf32, #tpu.memory_space<vmem>>
      %dma_wait3A_190 = arith.constant 0 : i32
      %dma_wait3A_191 = tpu.memref_slice %arg6[%dma_wait3A_186, %dma_wait3A_190] : memref<10x128xi32, #tpu.memory_space<vmem>> -> memref<1x128xi32, #tpu.memory_space<vmem>>
      %dma_wait3A_192 = tpu.memref_squeeze %dma_wait3A_191 : memref<1x128xi32, #tpu.memory_space<vmem>> -> memref<128xi32, #tpu.memory_space<vmem>>
      %dma_wait3A_193 = arith.constant 0 : i32
      %dma_wait3A_194 = arith.constant 0 : i32
      %dma_wait3A_195 = tpu.memref_slice %arg2[%select_n3A, %dma_wait3A_193, %dma_wait3A_194] : memref<26x100032x16xf32, #tpu.memory_space<hbm>> -> memref<1x100032x16xf32, #tpu.memory_space<hbm>>
      %dma_wait3A_196 = tpu.memref_squeeze %dma_wait3A_195 : memref<1x100032x16xf32, #tpu.memory_space<hbm>> -> memref<100032x16xf32, #tpu.memory_space<hbm>>
      %dma_wait3A_197 = arith.constant 0 : i32
      %dma_wait3A_198 = arith.constant 0 : i32
      %dma_wait3A_199 = tpu.memref_slice %dma_wait3A_196[%dma_wait3A_197, %dma_wait3A_198] : memref<100032x16xf32, #tpu.memory_space<hbm>> -> memref<100032x16xf32, #tpu.memory_space<hbm>>
      tpu.wait_indirect_dma semaphore(%arg9 : memref<!tpu.dma_semaphore, #tpu.memory_space<semaphore_mem>>) src(%dma_wait3A_199 : memref<100032x16xf32, #tpu.memory_space<hbm>>) dst(%dma_wait3A_189 : memref<128x16xf32, #tpu.memory_space<vmem>>)
      %dma_wait3A_200 = arith.constant 2 : i32
      %dma_wait3A_201 = arith.constant 256 : i32
      %dma_wait3A_202 = arith.constant 0 : i32
      %dma_wait3A_203 = tpu.memref_slice %arg8[%dma_wait3A_201, %dma_wait3A_202] : memref<1280x16xf32, #tpu.memory_space<vmem>> -> memref<128x16xf32, #tpu.memory_space<vmem>>
      %dma_wait3A_204 = arith.constant 0 : i32
      %dma_wait3A_205 = tpu.memref_slice %arg6[%dma_wait3A_200, %dma_wait3A_204] : memref<10x128xi32, #tpu.memory_space<vmem>> -> memref<1x128xi32, #tpu.memory_space<vmem>>
      %dma_wait3A_206 = tpu.memref_squeeze %dma_wait3A_205 : memref<1x128xi32, #tpu.memory_space<vmem>> -> memref<128xi32, #tpu.memory_space<vmem>>
      %dma_wait3A_207 = arith.constant 0 : i32
      %dma_wait3A_208 = arith.constant 0 : i32
      %dma_wait3A_209 = tpu.memref_slice %arg2[%select_n3A, %dma_wait3A_207, %dma_wait3A_208] : memref<26x100032x16xf32, #tpu.memory_space<hbm>> -> memref<1x100032x16xf32, #tpu.memory_space<hbm>>
      %dma_wait3A_210 = tpu.memref_squeeze %dma_wait3A_209 : memref<1x100032x16xf32, #tpu.memory_space<hbm>> -> memref<100032x16xf32, #tpu.memory_space<hbm>>
      %dma_wait3A_211 = arith.constant 0 : i32
      %dma_wait3A_212 = arith.constant 0 : i32
      %dma_wait3A_213 = tpu.memref_slice %dma_wait3A_210[%dma_wait3A_211, %dma_wait3A_212] : memref<100032x16xf32, #tpu.memory_space<hbm>> -> memref<100032x16xf32, #tpu.memory_space<hbm>>
      tpu.wait_indirect_dma semaphore(%arg9 : memref<!tpu.dma_semaphore, #tpu.memory_space<semaphore_mem>>) src(%dma_wait3A_213 : memref<100032x16xf32, #tpu.memory_space<hbm>>) dst(%dma_wait3A_203 : memref<128x16xf32, #tpu.memory_space<vmem>>)
      %dma_wait3A_214 = arith.constant 3 : i32
      %dma_wait3A_215 = arith.constant 384 : i32
      %dma_wait3A_216 = arith.constant 0 : i32
      %dma_wait3A_217 = tpu.memref_slice %arg8[%dma_wait3A_215, %dma_wait3A_216] : memref<1280x16xf32, #tpu.memory_space<vmem>> -> memref<128x16xf32, #tpu.memory_space<vmem>>
      %dma_wait3A_218 = arith.constant 0 : i32
      %dma_wait3A_219 = tpu.memref_slice %arg6[%dma_wait3A_214, %dma_wait3A_218] : memref<10x128xi32, #tpu.memory_space<vmem>> -> memref<1x128xi32, #tpu.memory_space<vmem>>
      %dma_wait3A_220 = tpu.memref_squeeze %dma_wait3A_219 : memref<1x128xi32, #tpu.memory_space<vmem>> -> memref<128xi32, #tpu.memory_space<vmem>>
      %dma_wait3A_221 = arith.constant 0 : i32
      %dma_wait3A_222 = arith.constant 0 : i32
      %dma_wait3A_223 = tpu.memref_slice %arg2[%select_n3A, %dma_wait3A_221, %dma_wait3A_222] : memref<26x100032x16xf32, #tpu.memory_space<hbm>> -> memref<1x100032x16xf32, #tpu.memory_space<hbm>>
      %dma_wait3A_224 = tpu.memref_squeeze %dma_wait3A_223 : memref<1x100032x16xf32, #tpu.memory_space<hbm>> -> memref<100032x16xf32, #tpu.memory_space<hbm>>
      %dma_wait3A_225 = arith.constant 0 : i32
      %dma_wait3A_226 = arith.constant 0 : i32
      %dma_wait3A_227 = tpu.memref_slice %dma_wait3A_224[%dma_wait3A_225, %dma_wait3A_226] : memref<100032x16xf32, #tpu.memory_space<hbm>> -> memref<100032x16xf32, #tpu.memory_space<hbm>>
      tpu.wait_indirect_dma semaphore(%arg9 : memref<!tpu.dma_semaphore, #tpu.memory_space<semaphore_mem>>) src(%dma_wait3A_227 : memref<100032x16xf32, #tpu.memory_space<hbm>>) dst(%dma_wait3A_217 : memref<128x16xf32, #tpu.memory_space<vmem>>)
      %dma_wait3A_228 = arith.constant 4 : i32
      %dma_wait3A_229 = arith.constant 512 : i32
      %dma_wait3A_230 = arith.constant 0 : i32
      %dma_wait3A_231 = tpu.memref_slice %arg8[%dma_wait3A_229, %dma_wait3A_230] : memref<1280x16xf32, #tpu.memory_space<vmem>> -> memref<128x16xf32, #tpu.memory_space<vmem>>
      %dma_wait3A_232 = arith.constant 0 : i32
      %dma_wait3A_233 = tpu.memref_slice %arg6[%dma_wait3A_228, %dma_wait3A_232] : memref<10x128xi32, #tpu.memory_space<vmem>> -> memref<1x128xi32, #tpu.memory_space<vmem>>
      %dma_wait3A_234 = tpu.memref_squeeze %dma_wait3A_233 : memref<1x128xi32, #tpu.memory_space<vmem>> -> memref<128xi32, #tpu.memory_space<vmem>>
      %dma_wait3A_235 = arith.constant 0 : i32
      %dma_wait3A_236 = arith.constant 0 : i32
      %dma_wait3A_237 = tpu.memref_slice %arg2[%select_n3A, %dma_wait3A_235, %dma_wait3A_236] : memref<26x100032x16xf32, #tpu.memory_space<hbm>> -> memref<1x100032x16xf32, #tpu.memory_space<hbm>>
      %dma_wait3A_238 = tpu.memref_squeeze %dma_wait3A_237 : memref<1x100032x16xf32, #tpu.memory_space<hbm>> -> memref<100032x16xf32, #tpu.memory_space<hbm>>
      %dma_wait3A_239 = arith.constant 0 : i32
      %dma_wait3A_240 = arith.constant 0 : i32
      %dma_wait3A_241 = tpu.memref_slice %dma_wait3A_238[%dma_wait3A_239, %dma_wait3A_240] : memref<100032x16xf32, #tpu.memory_space<hbm>> -> memref<100032x16xf32, #tpu.memory_space<hbm>>
      tpu.wait_indirect_dma semaphore(%arg9 : memref<!tpu.dma_semaphore, #tpu.memory_space<semaphore_mem>>) src(%dma_wait3A_241 : memref<100032x16xf32, #tpu.memory_space<hbm>>) dst(%dma_wait3A_231 : memref<128x16xf32, #tpu.memory_space<vmem>>)
      %dma_wait3A_242 = arith.constant 5 : i32
      %dma_wait3A_243 = arith.constant 640 : i32
      %dma_wait3A_244 = arith.constant 0 : i32
      %dma_wait3A_245 = tpu.memref_slice %arg8[%dma_wait3A_243, %dma_wait3A_244] : memref<1280x16xf32, #tpu.memory_space<vmem>> -> memref<128x16xf32, #tpu.memory_space<vmem>>
      %dma_wait3A_246 = arith.constant 0 : i32
      %dma_wait3A_247 = tpu.memref_slice %arg6[%dma_wait3A_242, %dma_wait3A_246] : memref<10x128xi32, #tpu.memory_space<vmem>> -> memref<1x128xi32, #tpu.memory_space<vmem>>
      %dma_wait3A_248 = tpu.memref_squeeze %dma_wait3A_247 : memref<1x128xi32, #tpu.memory_space<vmem>> -> memref<128xi32, #tpu.memory_space<vmem>>
      %dma_wait3A_249 = arith.constant 0 : i32
      %dma_wait3A_250 = arith.constant 0 : i32
      %dma_wait3A_251 = tpu.memref_slice %arg2[%select_n3A, %dma_wait3A_249, %dma_wait3A_250] : memref<26x100032x16xf32, #tpu.memory_space<hbm>> -> memref<1x100032x16xf32, #tpu.memory_space<hbm>>
      %dma_wait3A_252 = tpu.memref_squeeze %dma_wait3A_251 : memref<1x100032x16xf32, #tpu.memory_space<hbm>> -> memref<100032x16xf32, #tpu.memory_space<hbm>>
      %dma_wait3A_253 = arith.constant 0 : i32
      %dma_wait3A_254 = arith.constant 0 : i32
      %dma_wait3A_255 = tpu.memref_slice %dma_wait3A_252[%dma_wait3A_253, %dma_wait3A_254] : memref<100032x16xf32, #tpu.memory_space<hbm>> -> memref<100032x16xf32, #tpu.memory_space<hbm>>
      tpu.wait_indirect_dma semaphore(%arg9 : memref<!tpu.dma_semaphore, #tpu.memory_space<semaphore_mem>>) src(%dma_wait3A_255 : memref<100032x16xf32, #tpu.memory_space<hbm>>) dst(%dma_wait3A_245 : memref<128x16xf32, #tpu.memory_space<vmem>>)
      %dma_wait3A_256 = arith.constant 6 : i32
      %dma_wait3A_257 = arith.constant 768 : i32
      %dma_wait3A_258 = arith.constant 0 : i32
      %dma_wait3A_259 = tpu.memref_slice %arg8[%dma_wait3A_257, %dma_wait3A_258] : memref<1280x16xf32, #tpu.memory_space<vmem>> -> memref<128x16xf32, #tpu.memory_space<vmem>>
      %dma_wait3A_260 = arith.constant 0 : i32
      %dma_wait3A_261 = tpu.memref_slice %arg6[%dma_wait3A_256, %dma_wait3A_260] : memref<10x128xi32, #tpu.memory_space<vmem>> -> memref<1x128xi32, #tpu.memory_space<vmem>>
      %dma_wait3A_262 = tpu.memref_squeeze %dma_wait3A_261 : memref<1x128xi32, #tpu.memory_space<vmem>> -> memref<128xi32, #tpu.memory_space<vmem>>
      %dma_wait3A_263 = arith.constant 0 : i32
      %dma_wait3A_264 = arith.constant 0 : i32
      %dma_wait3A_265 = tpu.memref_slice %arg2[%select_n3A, %dma_wait3A_263, %dma_wait3A_264] : memref<26x100032x16xf32, #tpu.memory_space<hbm>> -> memref<1x100032x16xf32, #tpu.memory_space<hbm>>
      %dma_wait3A_266 = tpu.memref_squeeze %dma_wait3A_265 : memref<1x100032x16xf32, #tpu.memory_space<hbm>> -> memref<100032x16xf32, #tpu.memory_space<hbm>>
      %dma_wait3A_267 = arith.constant 0 : i32
      %dma_wait3A_268 = arith.constant 0 : i32
      %dma_wait3A_269 = tpu.memref_slice %dma_wait3A_266[%dma_wait3A_267, %dma_wait3A_268] : memref<100032x16xf32, #tpu.memory_space<hbm>> -> memref<100032x16xf32, #tpu.memory_space<hbm>>
      tpu.wait_indirect_dma semaphore(%arg9 : memref<!tpu.dma_semaphore, #tpu.memory_space<semaphore_mem>>) src(%dma_wait3A_269 : memref<100032x16xf32, #tpu.memory_space<hbm>>) dst(%dma_wait3A_259 : memref<128x16xf32, #tpu.memory_space<vmem>>)
      %dma_wait3A_270 = arith.constant 7 : i32
      %dma_wait3A_271 = arith.constant 896 : i32
      %dma_wait3A_272 = arith.constant 0 : i32
      %dma_wait3A_273 = tpu.memref_slice %arg8[%dma_wait3A_271, %dma_wait3A_272] : memref<1280x16xf32, #tpu.memory_space<vmem>> -> memref<128x16xf32, #tpu.memory_space<vmem>>
      %dma_wait3A_274 = arith.constant 0 : i32
      %dma_wait3A_275 = tpu.memref_slice %arg6[%dma_wait3A_270, %dma_wait3A_274] : memref<10x128xi32, #tpu.memory_space<vmem>> -> memref<1x128xi32, #tpu.memory_space<vmem>>
      %dma_wait3A_276 = tpu.memref_squeeze %dma_wait3A_275 : memref<1x128xi32, #tpu.memory_space<vmem>> -> memref<128xi32, #tpu.memory_space<vmem>>
      %dma_wait3A_277 = arith.constant 0 : i32
      %dma_wait3A_278 = arith.constant 0 : i32
      %dma_wait3A_279 = tpu.memref_slice %arg2[%select_n3A, %dma_wait3A_277, %dma_wait3A_278] : memref<26x100032x16xf32, #tpu.memory_space<hbm>> -> memref<1x100032x16xf32, #tpu.memory_space<hbm>>
      %dma_wait3A_280 = tpu.memref_squeeze %dma_wait3A_279 : memref<1x100032x16xf32, #tpu.memory_space<hbm>> -> memref<100032x16xf32, #tpu.memory_space<hbm>>
      %dma_wait3A_281 = arith.constant 0 : i32
      %dma_wait3A_282 = arith.constant 0 : i32
      %dma_wait3A_283 = tpu.memref_slice %dma_wait3A_280[%dma_wait3A_281, %dma_wait3A_282] : memref<100032x16xf32, #tpu.memory_space<hbm>> -> memref<100032x16xf32, #tpu.memory_space<hbm>>
      tpu.wait_indirect_dma semaphore(%arg9 : memref<!tpu.dma_semaphore, #tpu.memory_space<semaphore_mem>>) src(%dma_wait3A_283 : memref<100032x16xf32, #tpu.memory_space<hbm>>) dst(%dma_wait3A_273 : memref<128x16xf32, #tpu.memory_space<vmem>>)
      %dma_wait3A_284 = arith.constant 8 : i32
      %dma_wait3A_285 = arith.constant 1024 : i32
      %dma_wait3A_286 = arith.constant 0 : i32
      %dma_wait3A_287 = tpu.memref_slice %arg8[%dma_wait3A_285, %dma_wait3A_286] : memref<1280x16xf32, #tpu.memory_space<vmem>> -> memref<128x16xf32, #tpu.memory_space<vmem>>
      %dma_wait3A_288 = arith.constant 0 : i32
      %dma_wait3A_289 = tpu.memref_slice %arg6[%dma_wait3A_284, %dma_wait3A_288] : memref<10x128xi32, #tpu.memory_space<vmem>> -> memref<1x128xi32, #tpu.memory_space<vmem>>
      %dma_wait3A_290 = tpu.memref_squeeze %dma_wait3A_289 : memref<1x128xi32, #tpu.memory_space<vmem>> -> memref<128xi32, #tpu.memory_space<vmem>>
      %dma_wait3A_291 = arith.constant 0 : i32
      %dma_wait3A_292 = arith.constant 0 : i32
      %dma_wait3A_293 = tpu.memref_slice %arg2[%select_n3A, %dma_wait3A_291, %dma_wait3A_292] : memref<26x100032x16xf32, #tpu.memory_space<hbm>> -> memref<1x100032x16xf32, #tpu.memory_space<hbm>>
      %dma_wait3A_294 = tpu.memref_squeeze %dma_wait3A_293 : memref<1x100032x16xf32, #tpu.memory_space<hbm>> -> memref<100032x16xf32, #tpu.memory_space<hbm>>
      %dma_wait3A_295 = arith.constant 0 : i32
      %dma_wait3A_296 = arith.constant 0 : i32
      %dma_wait3A_297 = tpu.memref_slice %dma_wait3A_294[%dma_wait3A_295, %dma_wait3A_296] : memref<100032x16xf32, #tpu.memory_space<hbm>> -> memref<100032x16xf32, #tpu.memory_space<hbm>>
      tpu.wait_indirect_dma semaphore(%arg9 : memref<!tpu.dma_semaphore, #tpu.memory_space<semaphore_mem>>) src(%dma_wait3A_297 : memref<100032x16xf32, #tpu.memory_space<hbm>>) dst(%dma_wait3A_287 : memref<128x16xf32, #tpu.memory_space<vmem>>)
      %dma_wait3A_298 = arith.constant 9 : i32
      %dma_wait3A_299 = arith.constant 1152 : i32
      %dma_wait3A_300 = arith.constant 0 : i32
      %dma_wait3A_301 = tpu.memref_slice %arg8[%dma_wait3A_299, %dma_wait3A_300] : memref<1280x16xf32, #tpu.memory_space<vmem>> -> memref<128x16xf32, #tpu.memory_space<vmem>>
      %dma_wait3A_302 = arith.constant 0 : i32
      %dma_wait3A_303 = tpu.memref_slice %arg6[%dma_wait3A_298, %dma_wait3A_302] : memref<10x128xi32, #tpu.memory_space<vmem>> -> memref<1x128xi32, #tpu.memory_space<vmem>>
      %dma_wait3A_304 = tpu.memref_squeeze %dma_wait3A_303 : memref<1x128xi32, #tpu.memory_space<vmem>> -> memref<128xi32, #tpu.memory_space<vmem>>
      %dma_wait3A_305 = arith.constant 0 : i32
      %dma_wait3A_306 = arith.constant 0 : i32
      %dma_wait3A_307 = tpu.memref_slice %arg2[%select_n3A, %dma_wait3A_305, %dma_wait3A_306] : memref<26x100032x16xf32, #tpu.memory_space<hbm>> -> memref<1x100032x16xf32, #tpu.memory_space<hbm>>
      %dma_wait3A_308 = tpu.memref_squeeze %dma_wait3A_307 : memref<1x100032x16xf32, #tpu.memory_space<hbm>> -> memref<100032x16xf32, #tpu.memory_space<hbm>>
      %dma_wait3A_309 = arith.constant 0 : i32
      %dma_wait3A_310 = arith.constant 0 : i32
      %dma_wait3A_311 = tpu.memref_slice %dma_wait3A_308[%dma_wait3A_309, %dma_wait3A_310] : memref<100032x16xf32, #tpu.memory_space<hbm>> -> memref<100032x16xf32, #tpu.memory_space<hbm>>
      tpu.wait_indirect_dma semaphore(%arg9 : memref<!tpu.dma_semaphore, #tpu.memory_space<semaphore_mem>>) src(%dma_wait3A_311 : memref<100032x16xf32, #tpu.memory_space<hbm>>) dst(%dma_wait3A_301 : memref<128x16xf32, #tpu.memory_space<vmem>>)
      %dma_start3A_312 = arith.constant 0 : i32
      %dma_start3A_313 = arith.constant 0 : i32
      %dma_start3A_314 = arith.constant 0 : i32
      %dma_start3A_315 = tpu.memref_slice %arg8[%dma_start3A_313, %dma_start3A_314] : memref<1280x16xf32, #tpu.memory_space<vmem>> -> memref<128x16xf32, #tpu.memory_space<vmem>>
      %dma_start3A_316 = arith.constant 0 : i32
      %dma_start3A_317 = tpu.memref_slice %arg7[%dma_start3A_312, %dma_start3A_316] : memref<10x128xi32, #tpu.memory_space<vmem>> -> memref<1x128xi32, #tpu.memory_space<vmem>>
      %dma_start3A_318 = tpu.memref_squeeze %dma_start3A_317 : memref<1x128xi32, #tpu.memory_space<vmem>> -> memref<128xi32, #tpu.memory_space<vmem>>
      %dma_start3A_319 = arith.constant 0 : i32
      %dma_start3A_320 = arith.constant 0 : i32
      %dma_start3A_321 = tpu.memref_slice %arg5[%dma_start3A_319, %dma_start3A_320] : memref<6553600x16xf32, #tpu.memory_space<hbm>> -> memref<6553600x16xf32, #tpu.memory_space<hbm>>
      tpu.enqueue_indirect_dma source(%dma_start3A_315 : memref<128x16xf32, #tpu.memory_space<vmem>>) target(%dma_start3A_321 : memref<6553600x16xf32, #tpu.memory_space<hbm>>) offsets(%dma_start3A_318 : memref<128xi32, #tpu.memory_space<vmem>>) semaphore(%arg10 : memref<!tpu.dma_semaphore, #tpu.memory_space<semaphore_mem>>)
      %dma_start3A_322 = arith.constant 1 : i32
      %dma_start3A_323 = arith.constant 128 : i32
      %dma_start3A_324 = arith.constant 0 : i32
      %dma_start3A_325 = tpu.memref_slice %arg8[%dma_start3A_323, %dma_start3A_324] : memref<1280x16xf32, #tpu.memory_space<vmem>> -> memref<128x16xf32, #tpu.memory_space<vmem>>
      %dma_start3A_326 = arith.constant 0 : i32
      %dma_start3A_327 = tpu.memref_slice %arg7[%dma_start3A_322, %dma_start3A_326] : memref<10x128xi32, #tpu.memory_space<vmem>> -> memref<1x128xi32, #tpu.memory_space<vmem>>
      %dma_start3A_328 = tpu.memref_squeeze %dma_start3A_327 : memref<1x128xi32, #tpu.memory_space<vmem>> -> memref<128xi32, #tpu.memory_space<vmem>>
      %dma_start3A_329 = arith.constant 0 : i32
      %dma_start3A_330 = arith.constant 0 : i32
      %dma_start3A_331 = tpu.memref_slice %arg5[%dma_start3A_329, %dma_start3A_330] : memref<6553600x16xf32, #tpu.memory_space<hbm>> -> memref<6553600x16xf32, #tpu.memory_space<hbm>>
      tpu.enqueue_indirect_dma source(%dma_start3A_325 : memref<128x16xf32, #tpu.memory_space<vmem>>) target(%dma_start3A_331 : memref<6553600x16xf32, #tpu.memory_space<hbm>>) offsets(%dma_start3A_328 : memref<128xi32, #tpu.memory_space<vmem>>) semaphore(%arg10 : memref<!tpu.dma_semaphore, #tpu.memory_space<semaphore_mem>>)
      %dma_start3A_332 = arith.constant 2 : i32
      %dma_start3A_333 = arith.constant 256 : i32
      %dma_start3A_334 = arith.constant 0 : i32
      %dma_start3A_335 = tpu.memref_slice %arg8[%dma_start3A_333, %dma_start3A_334] : memref<1280x16xf32, #tpu.memory_space<vmem>> -> memref<128x16xf32, #tpu.memory_space<vmem>>
      %dma_start3A_336 = arith.constant 0 : i32
      %dma_start3A_337 = tpu.memref_slice %arg7[%dma_start3A_332, %dma_start3A_336] : memref<10x128xi32, #tpu.memory_space<vmem>> -> memref<1x128xi32, #tpu.memory_space<vmem>>
      %dma_start3A_338 = tpu.memref_squeeze %dma_start3A_337 : memref<1x128xi32, #tpu.memory_space<vmem>> -> memref<128xi32, #tpu.memory_space<vmem>>
      %dma_start3A_339 = arith.constant 0 : i32
      %dma_start3A_340 = arith.constant 0 : i32
      %dma_start3A_341 = tpu.memref_slice %arg5[%dma_start3A_339, %dma_start3A_340] : memref<6553600x16xf32, #tpu.memory_space<hbm>> -> memref<6553600x16xf32, #tpu.memory_space<hbm>>
      tpu.enqueue_indirect_dma source(%dma_start3A_335 : memref<128x16xf32, #tpu.memory_space<vmem>>) target(%dma_start3A_341 : memref<6553600x16xf32, #tpu.memory_space<hbm>>) offsets(%dma_start3A_338 : memref<128xi32, #tpu.memory_space<vmem>>) semaphore(%arg10 : memref<!tpu.dma_semaphore, #tpu.memory_space<semaphore_mem>>)
      %dma_start3A_342 = arith.constant 3 : i32
      %dma_start3A_343 = arith.constant 384 : i32
      %dma_start3A_344 = arith.constant 0 : i32
      %dma_start3A_345 = tpu.memref_slice %arg8[%dma_start3A_343, %dma_start3A_344] : memref<1280x16xf32, #tpu.memory_space<vmem>> -> memref<128x16xf32, #tpu.memory_space<vmem>>
      %dma_start3A_346 = arith.constant 0 : i32
      %dma_start3A_347 = tpu.memref_slice %arg7[%dma_start3A_342, %dma_start3A_346] : memref<10x128xi32, #tpu.memory_space<vmem>> -> memref<1x128xi32, #tpu.memory_space<vmem>>
      %dma_start3A_348 = tpu.memref_squeeze %dma_start3A_347 : memref<1x128xi32, #tpu.memory_space<vmem>> -> memref<128xi32, #tpu.memory_space<vmem>>
      %dma_start3A_349 = arith.constant 0 : i32
      %dma_start3A_350 = arith.constant 0 : i32
      %dma_start3A_351 = tpu.memref_slice %arg5[%dma_start3A_349, %dma_start3A_350] : memref<6553600x16xf32, #tpu.memory_space<hbm>> -> memref<6553600x16xf32, #tpu.memory_space<hbm>>
      tpu.enqueue_indirect_dma source(%dma_start3A_345 : memref<128x16xf32, #tpu.memory_space<vmem>>) target(%dma_start3A_351 : memref<6553600x16xf32, #tpu.memory_space<hbm>>) offsets(%dma_start3A_348 : memref<128xi32, #tpu.memory_space<vmem>>) semaphore(%arg10 : memref<!tpu.dma_semaphore, #tpu.memory_space<semaphore_mem>>)
      %dma_start3A_352 = arith.constant 4 : i32
      %dma_start3A_353 = arith.constant 512 : i32
      %dma_start3A_354 = arith.constant 0 : i32
      %dma_start3A_355 = tpu.memref_slice %arg8[%dma_start3A_353, %dma_start3A_354] : memref<1280x16xf32, #tpu.memory_space<vmem>> -> memref<128x16xf32, #tpu.memory_space<vmem>>
      %dma_start3A_356 = arith.constant 0 : i32
      %dma_start3A_357 = tpu.memref_slice %arg7[%dma_start3A_352, %dma_start3A_356] : memref<10x128xi32, #tpu.memory_space<vmem>> -> memref<1x128xi32, #tpu.memory_space<vmem>>
      %dma_start3A_358 = tpu.memref_squeeze %dma_start3A_357 : memref<1x128xi32, #tpu.memory_space<vmem>> -> memref<128xi32, #tpu.memory_space<vmem>>
      %dma_start3A_359 = arith.constant 0 : i32
      %dma_start3A_360 = arith.constant 0 : i32
      %dma_start3A_361 = tpu.memref_slice %arg5[%dma_start3A_359, %dma_start3A_360] : memref<6553600x16xf32, #tpu.memory_space<hbm>> -> memref<6553600x16xf32, #tpu.memory_space<hbm>>
      tpu.enqueue_indirect_dma source(%dma_start3A_355 : memref<128x16xf32, #tpu.memory_space<vmem>>) target(%dma_start3A_361 : memref<6553600x16xf32, #tpu.memory_space<hbm>>) offsets(%dma_start3A_358 : memref<128xi32, #tpu.memory_space<vmem>>) semaphore(%arg10 : memref<!tpu.dma_semaphore, #tpu.memory_space<semaphore_mem>>)
      %dma_start3A_362 = arith.constant 5 : i32
      %dma_start3A_363 = arith.constant 640 : i32
      %dma_start3A_364 = arith.constant 0 : i32
      %dma_start3A_365 = tpu.memref_slice %arg8[%dma_start3A_363, %dma_start3A_364] : memref<1280x16xf32, #tpu.memory_space<vmem>> -> memref<128x16xf32, #tpu.memory_space<vmem>>
      %dma_start3A_366 = arith.constant 0 : i32
      %dma_start3A_367 = tpu.memref_slice %arg7[%dma_start3A_362, %dma_start3A_366] : memref<10x128xi32, #tpu.memory_space<vmem>> -> memref<1x128xi32, #tpu.memory_space<vmem>>
      %dma_start3A_368 = tpu.memref_squeeze %dma_start3A_367 : memref<1x128xi32, #tpu.memory_space<vmem>> -> memref<128xi32, #tpu.memory_space<vmem>>
      %dma_start3A_369 = arith.constant 0 : i32
      %dma_start3A_370 = arith.constant 0 : i32
      %dma_start3A_371 = tpu.memref_slice %arg5[%dma_start3A_369, %dma_start3A_370] : memref<6553600x16xf32, #tpu.memory_space<hbm>> -> memref<6553600x16xf32, #tpu.memory_space<hbm>>
      tpu.enqueue_indirect_dma source(%dma_start3A_365 : memref<128x16xf32, #tpu.memory_space<vmem>>) target(%dma_start3A_371 : memref<6553600x16xf32, #tpu.memory_space<hbm>>) offsets(%dma_start3A_368 : memref<128xi32, #tpu.memory_space<vmem>>) semaphore(%arg10 : memref<!tpu.dma_semaphore, #tpu.memory_space<semaphore_mem>>)
      %dma_start3A_372 = arith.constant 6 : i32
      %dma_start3A_373 = arith.constant 768 : i32
      %dma_start3A_374 = arith.constant 0 : i32
      %dma_start3A_375 = tpu.memref_slice %arg8[%dma_start3A_373, %dma_start3A_374] : memref<1280x16xf32, #tpu.memory_space<vmem>> -> memref<128x16xf32, #tpu.memory_space<vmem>>
      %dma_start3A_376 = arith.constant 0 : i32
      %dma_start3A_377 = tpu.memref_slice %arg7[%dma_start3A_372, %dma_start3A_376] : memref<10x128xi32, #tpu.memory_space<vmem>> -> memref<1x128xi32, #tpu.memory_space<vmem>>
      %dma_start3A_378 = tpu.memref_squeeze %dma_start3A_377 : memref<1x128xi32, #tpu.memory_space<vmem>> -> memref<128xi32, #tpu.memory_space<vmem>>
      %dma_start3A_379 = arith.constant 0 : i32
      %dma_start3A_380 = arith.constant 0 : i32
      %dma_start3A_381 = tpu.memref_slice %arg5[%dma_start3A_379, %dma_start3A_380] : memref<6553600x16xf32, #tpu.memory_space<hbm>> -> memref<6553600x16xf32, #tpu.memory_space<hbm>>
      tpu.enqueue_indirect_dma source(%dma_start3A_375 : memref<128x16xf32, #tpu.memory_space<vmem>>) target(%dma_start3A_381 : memref<6553600x16xf32, #tpu.memory_space<hbm>>) offsets(%dma_start3A_378 : memref<128xi32, #tpu.memory_space<vmem>>) semaphore(%arg10 : memref<!tpu.dma_semaphore, #tpu.memory_space<semaphore_mem>>)
      %dma_start3A_382 = arith.constant 7 : i32
      %dma_start3A_383 = arith.constant 896 : i32
      %dma_start3A_384 = arith.constant 0 : i32
      %dma_start3A_385 = tpu.memref_slice %arg8[%dma_start3A_383, %dma_start3A_384] : memref<1280x16xf32, #tpu.memory_space<vmem>> -> memref<128x16xf32, #tpu.memory_space<vmem>>
      %dma_start3A_386 = arith.constant 0 : i32
      %dma_start3A_387 = tpu.memref_slice %arg7[%dma_start3A_382, %dma_start3A_386] : memref<10x128xi32, #tpu.memory_space<vmem>> -> memref<1x128xi32, #tpu.memory_space<vmem>>
      %dma_start3A_388 = tpu.memref_squeeze %dma_start3A_387 : memref<1x128xi32, #tpu.memory_space<vmem>> -> memref<128xi32, #tpu.memory_space<vmem>>
      %dma_start3A_389 = arith.constant 0 : i32
      %dma_start3A_390 = arith.constant 0 : i32
      %dma_start3A_391 = tpu.memref_slice %arg5[%dma_start3A_389, %dma_start3A_390] : memref<6553600x16xf32, #tpu.memory_space<hbm>> -> memref<6553600x16xf32, #tpu.memory_space<hbm>>
      tpu.enqueue_indirect_dma source(%dma_start3A_385 : memref<128x16xf32, #tpu.memory_space<vmem>>) target(%dma_start3A_391 : memref<6553600x16xf32, #tpu.memory_space<hbm>>) offsets(%dma_start3A_388 : memref<128xi32, #tpu.memory_space<vmem>>) semaphore(%arg10 : memref<!tpu.dma_semaphore, #tpu.memory_space<semaphore_mem>>)
      %dma_start3A_392 = arith.constant 8 : i32
      %dma_start3A_393 = arith.constant 1024 : i32
      %dma_start3A_394 = arith.constant 0 : i32
      %dma_start3A_395 = tpu.memref_slice %arg8[%dma_start3A_393, %dma_start3A_394] : memref<1280x16xf32, #tpu.memory_space<vmem>> -> memref<128x16xf32, #tpu.memory_space<vmem>>
      %dma_start3A_396 = arith.constant 0 : i32
      %dma_start3A_397 = tpu.memref_slice %arg7[%dma_start3A_392, %dma_start3A_396] : memref<10x128xi32, #tpu.memory_space<vmem>> -> memref<1x128xi32, #tpu.memory_space<vmem>>
      %dma_start3A_398 = tpu.memref_squeeze %dma_start3A_397 : memref<1x128xi32, #tpu.memory_space<vmem>> -> memref<128xi32, #tpu.memory_space<vmem>>
      %dma_start3A_399 = arith.constant 0 : i32
      %dma_start3A_400 = arith.constant 0 : i32
      %dma_start3A_401 = tpu.memref_slice %arg5[%dma_start3A_399, %dma_start3A_400] : memref<6553600x16xf32, #tpu.memory_space<hbm>> -> memref<6553600x16xf32, #tpu.memory_space<hbm>>
      tpu.enqueue_indirect_dma source(%dma_start3A_395 : memref<128x16xf32, #tpu.memory_space<vmem>>) target(%dma_start3A_401 : memref<6553600x16xf32, #tpu.memory_space<hbm>>) offsets(%dma_start3A_398 : memref<128xi32, #tpu.memory_space<vmem>>) semaphore(%arg10 : memref<!tpu.dma_semaphore, #tpu.memory_space<semaphore_mem>>)
      %dma_start3A_402 = arith.constant 9 : i32
      %dma_start3A_403 = arith.constant 1152 : i32
      %dma_start3A_404 = arith.constant 0 : i32
      %dma_start3A_405 = tpu.memref_slice %arg8[%dma_start3A_403, %dma_start3A_404] : memref<1280x16xf32, #tpu.memory_space<vmem>> -> memref<128x16xf32, #tpu.memory_space<vmem>>
      %dma_start3A_406 = arith.constant 0 : i32
      %dma_start3A_407 = tpu.memref_slice %arg7[%dma_start3A_402, %dma_start3A_406] : memref<10x128xi32, #tpu.memory_space<vmem>> -> memref<1x128xi32, #tpu.memory_space<vmem>>
      %dma_start3A_408 = tpu.memref_squeeze %dma_start3A_407 : memref<1x128xi32, #tpu.memory_space<vmem>> -> memref<128xi32, #tpu.memory_space<vmem>>
      %dma_start3A_409 = arith.constant 0 : i32
      %dma_start3A_410 = arith.constant 0 : i32
      %dma_start3A_411 = tpu.memref_slice %arg5[%dma_start3A_409, %dma_start3A_410] : memref<6553600x16xf32, #tpu.memory_space<hbm>> -> memref<6553600x16xf32, #tpu.memory_space<hbm>>
      tpu.enqueue_indirect_dma source(%dma_start3A_405 : memref<128x16xf32, #tpu.memory_space<vmem>>) target(%dma_start3A_411 : memref<6553600x16xf32, #tpu.memory_space<hbm>>) offsets(%dma_start3A_408 : memref<128xi32, #tpu.memory_space<vmem>>) semaphore(%arg10 : memref<!tpu.dma_semaphore, #tpu.memory_space<semaphore_mem>>)
      %dma_wait3A_412 = arith.constant 0 : i32
      %dma_wait3A_413 = arith.constant 0 : i32
      %dma_wait3A_414 = arith.constant 0 : i32
      %dma_wait3A_415 = tpu.memref_slice %arg8[%dma_wait3A_413, %dma_wait3A_414] : memref<1280x16xf32, #tpu.memory_space<vmem>> -> memref<128x16xf32, #tpu.memory_space<vmem>>
      %dma_wait3A_416 = arith.constant 0 : i32
      %dma_wait3A_417 = tpu.memref_slice %arg7[%dma_wait3A_412, %dma_wait3A_416] : memref<10x128xi32, #tpu.memory_space<vmem>> -> memref<1x128xi32, #tpu.memory_space<vmem>>
      %dma_wait3A_418 = tpu.memref_squeeze %dma_wait3A_417 : memref<1x128xi32, #tpu.memory_space<vmem>> -> memref<128xi32, #tpu.memory_space<vmem>>
      %dma_wait3A_419 = arith.constant 0 : i32
      %dma_wait3A_420 = arith.constant 0 : i32
      %dma_wait3A_421 = tpu.memref_slice %arg5[%dma_wait3A_419, %dma_wait3A_420] : memref<6553600x16xf32, #tpu.memory_space<hbm>> -> memref<6553600x16xf32, #tpu.memory_space<hbm>>
      tpu.wait_indirect_dma semaphore(%arg10 : memref<!tpu.dma_semaphore, #tpu.memory_space<semaphore_mem>>) src(%dma_wait3A_415 : memref<128x16xf32, #tpu.memory_space<vmem>>) dst(%dma_wait3A_421 : memref<6553600x16xf32, #tpu.memory_space<hbm>>)
      %dma_wait3A_422 = arith.constant 1 : i32
      %dma_wait3A_423 = arith.constant 128 : i32
      %dma_wait3A_424 = arith.constant 0 : i32
      %dma_wait3A_425 = tpu.memref_slice %arg8[%dma_wait3A_423, %dma_wait3A_424] : memref<1280x16xf32, #tpu.memory_space<vmem>> -> memref<128x16xf32, #tpu.memory_space<vmem>>
      %dma_wait3A_426 = arith.constant 0 : i32
      %dma_wait3A_427 = tpu.memref_slice %arg7[%dma_wait3A_422, %dma_wait3A_426] : memref<10x128xi32, #tpu.memory_space<vmem>> -> memref<1x128xi32, #tpu.memory_space<vmem>>
      %dma_wait3A_428 = tpu.memref_squeeze %dma_wait3A_427 : memref<1x128xi32, #tpu.memory_space<vmem>> -> memref<128xi32, #tpu.memory_space<vmem>>
      %dma_wait3A_429 = arith.constant 0 : i32
      %dma_wait3A_430 = arith.constant 0 : i32
      %dma_wait3A_431 = tpu.memref_slice %arg5[%dma_wait3A_429, %dma_wait3A_430] : memref<6553600x16xf32, #tpu.memory_space<hbm>> -> memref<6553600x16xf32, #tpu.memory_space<hbm>>
      tpu.wait_indirect_dma semaphore(%arg10 : memref<!tpu.dma_semaphore, #tpu.memory_space<semaphore_mem>>) src(%dma_wait3A_425 : memref<128x16xf32, #tpu.memory_space<vmem>>) dst(%dma_wait3A_431 : memref<6553600x16xf32, #tpu.memory_space<hbm>>)
      %dma_wait3A_432 = arith.constant 2 : i32
      %dma_wait3A_433 = arith.constant 256 : i32
      %dma_wait3A_434 = arith.constant 0 : i32
      %dma_wait3A_435 = tpu.memref_slice %arg8[%dma_wait3A_433, %dma_wait3A_434] : memref<1280x16xf32, #tpu.memory_space<vmem>> -> memref<128x16xf32, #tpu.memory_space<vmem>>
      %dma_wait3A_436 = arith.constant 0 : i32
      %dma_wait3A_437 = tpu.memref_slice %arg7[%dma_wait3A_432, %dma_wait3A_436] : memref<10x128xi32, #tpu.memory_space<vmem>> -> memref<1x128xi32, #tpu.memory_space<vmem>>
      %dma_wait3A_438 = tpu.memref_squeeze %dma_wait3A_437 : memref<1x128xi32, #tpu.memory_space<vmem>> -> memref<128xi32, #tpu.memory_space<vmem>>
      %dma_wait3A_439 = arith.constant 0 : i32
      %dma_wait3A_440 = arith.constant 0 : i32
      %dma_wait3A_441 = tpu.memref_slice %arg5[%dma_wait3A_439, %dma_wait3A_440] : memref<6553600x16xf32, #tpu.memory_space<hbm>> -> memref<6553600x16xf32, #tpu.memory_space<hbm>>
      tpu.wait_indirect_dma semaphore(%arg10 : memref<!tpu.dma_semaphore, #tpu.memory_space<semaphore_mem>>) src(%dma_wait3A_435 : memref<128x16xf32, #tpu.memory_space<vmem>>) dst(%dma_wait3A_441 : memref<6553600x16xf32, #tpu.memory_space<hbm>>)
      %dma_wait3A_442 = arith.constant 3 : i32
      %dma_wait3A_443 = arith.constant 384 : i32
      %dma_wait3A_444 = arith.constant 0 : i32
      %dma_wait3A_445 = tpu.memref_slice %arg8[%dma_wait3A_443, %dma_wait3A_444] : memref<1280x16xf32, #tpu.memory_space<vmem>> -> memref<128x16xf32, #tpu.memory_space<vmem>>
      %dma_wait3A_446 = arith.constant 0 : i32
      %dma_wait3A_447 = tpu.memref_slice %arg7[%dma_wait3A_442, %dma_wait3A_446] : memref<10x128xi32, #tpu.memory_space<vmem>> -> memref<1x128xi32, #tpu.memory_space<vmem>>
      %dma_wait3A_448 = tpu.memref_squeeze %dma_wait3A_447 : memref<1x128xi32, #tpu.memory_space<vmem>> -> memref<128xi32, #tpu.memory_space<vmem>>
      %dma_wait3A_449 = arith.constant 0 : i32
      %dma_wait3A_450 = arith.constant 0 : i32
      %dma_wait3A_451 = tpu.memref_slice %arg5[%dma_wait3A_449, %dma_wait3A_450] : memref<6553600x16xf32, #tpu.memory_space<hbm>> -> memref<6553600x16xf32, #tpu.memory_space<hbm>>
      tpu.wait_indirect_dma semaphore(%arg10 : memref<!tpu.dma_semaphore, #tpu.memory_space<semaphore_mem>>) src(%dma_wait3A_445 : memref<128x16xf32, #tpu.memory_space<vmem>>) dst(%dma_wait3A_451 : memref<6553600x16xf32, #tpu.memory_space<hbm>>)
      %dma_wait3A_452 = arith.constant 4 : i32
      %dma_wait3A_453 = arith.constant 512 : i32
      %dma_wait3A_454 = arith.constant 0 : i32
      %dma_wait3A_455 = tpu.memref_slice %arg8[%dma_wait3A_453, %dma_wait3A_454] : memref<1280x16xf32, #tpu.memory_space<vmem>> -> memref<128x16xf32, #tpu.memory_space<vmem>>
      %dma_wait3A_456 = arith.constant 0 : i32
      %dma_wait3A_457 = tpu.memref_slice %arg7[%dma_wait3A_452, %dma_wait3A_456] : memref<10x128xi32, #tpu.memory_space<vmem>> -> memref<1x128xi32, #tpu.memory_space<vmem>>
      %dma_wait3A_458 = tpu.memref_squeeze %dma_wait3A_457 : memref<1x128xi32, #tpu.memory_space<vmem>> -> memref<128xi32, #tpu.memory_space<vmem>>
      %dma_wait3A_459 = arith.constant 0 : i32
      %dma_wait3A_460 = arith.constant 0 : i32
      %dma_wait3A_461 = tpu.memref_slice %arg5[%dma_wait3A_459, %dma_wait3A_460] : memref<6553600x16xf32, #tpu.memory_space<hbm>> -> memref<6553600x16xf32, #tpu.memory_space<hbm>>
      tpu.wait_indirect_dma semaphore(%arg10 : memref<!tpu.dma_semaphore, #tpu.memory_space<semaphore_mem>>) src(%dma_wait3A_455 : memref<128x16xf32, #tpu.memory_space<vmem>>) dst(%dma_wait3A_461 : memref<6553600x16xf32, #tpu.memory_space<hbm>>)
      %dma_wait3A_462 = arith.constant 5 : i32
      %dma_wait3A_463 = arith.constant 640 : i32
      %dma_wait3A_464 = arith.constant 0 : i32
      %dma_wait3A_465 = tpu.memref_slice %arg8[%dma_wait3A_463, %dma_wait3A_464] : memref<1280x16xf32, #tpu.memory_space<vmem>> -> memref<128x16xf32, #tpu.memory_space<vmem>>
      %dma_wait3A_466 = arith.constant 0 : i32
      %dma_wait3A_467 = tpu.memref_slice %arg7[%dma_wait3A_462, %dma_wait3A_466] : memref<10x128xi32, #tpu.memory_space<vmem>> -> memref<1x128xi32, #tpu.memory_space<vmem>>
      %dma_wait3A_468 = tpu.memref_squeeze %dma_wait3A_467 : memref<1x128xi32, #tpu.memory_space<vmem>> -> memref<128xi32, #tpu.memory_space<vmem>>
      %dma_wait3A_469 = arith.constant 0 : i32
      %dma_wait3A_470 = arith.constant 0 : i32
      %dma_wait3A_471 = tpu.memref_slice %arg5[%dma_wait3A_469, %dma_wait3A_470] : memref<6553600x16xf32, #tpu.memory_space<hbm>> -> memref<6553600x16xf32, #tpu.memory_space<hbm>>
      tpu.wait_indirect_dma semaphore(%arg10 : memref<!tpu.dma_semaphore, #tpu.memory_space<semaphore_mem>>) src(%dma_wait3A_465 : memref<128x16xf32, #tpu.memory_space<vmem>>) dst(%dma_wait3A_471 : memref<6553600x16xf32, #tpu.memory_space<hbm>>)
      %dma_wait3A_472 = arith.constant 6 : i32
      %dma_wait3A_473 = arith.constant 768 : i32
      %dma_wait3A_474 = arith.constant 0 : i32
      %dma_wait3A_475 = tpu.memref_slice %arg8[%dma_wait3A_473, %dma_wait3A_474] : memref<1280x16xf32, #tpu.memory_space<vmem>> -> memref<128x16xf32, #tpu.memory_space<vmem>>
      %dma_wait3A_476 = arith.constant 0 : i32
      %dma_wait3A_477 = tpu.memref_slice %arg7[%dma_wait3A_472, %dma_wait3A_476] : memref<10x128xi32, #tpu.memory_space<vmem>> -> memref<1x128xi32, #tpu.memory_space<vmem>>
      %dma_wait3A_478 = tpu.memref_squeeze %dma_wait3A_477 : memref<1x128xi32, #tpu.memory_space<vmem>> -> memref<128xi32, #tpu.memory_space<vmem>>
      %dma_wait3A_479 = arith.constant 0 : i32
      %dma_wait3A_480 = arith.constant 0 : i32
      %dma_wait3A_481 = tpu.memref_slice %arg5[%dma_wait3A_479, %dma_wait3A_480] : memref<6553600x16xf32, #tpu.memory_space<hbm>> -> memref<6553600x16xf32, #tpu.memory_space<hbm>>
      tpu.wait_indirect_dma semaphore(%arg10 : memref<!tpu.dma_semaphore, #tpu.memory_space<semaphore_mem>>) src(%dma_wait3A_475 : memref<128x16xf32, #tpu.memory_space<vmem>>) dst(%dma_wait3A_481 : memref<6553600x16xf32, #tpu.memory_space<hbm>>)
      %dma_wait3A_482 = arith.constant 7 : i32
      %dma_wait3A_483 = arith.constant 896 : i32
      %dma_wait3A_484 = arith.constant 0 : i32
      %dma_wait3A_485 = tpu.memref_slice %arg8[%dma_wait3A_483, %dma_wait3A_484] : memref<1280x16xf32, #tpu.memory_space<vmem>> -> memref<128x16xf32, #tpu.memory_space<vmem>>
      %dma_wait3A_486 = arith.constant 0 : i32
      %dma_wait3A_487 = tpu.memref_slice %arg7[%dma_wait3A_482, %dma_wait3A_486] : memref<10x128xi32, #tpu.memory_space<vmem>> -> memref<1x128xi32, #tpu.memory_space<vmem>>
      %dma_wait3A_488 = tpu.memref_squeeze %dma_wait3A_487 : memref<1x128xi32, #tpu.memory_space<vmem>> -> memref<128xi32, #tpu.memory_space<vmem>>
      %dma_wait3A_489 = arith.constant 0 : i32
      %dma_wait3A_490 = arith.constant 0 : i32
      %dma_wait3A_491 = tpu.memref_slice %arg5[%dma_wait3A_489, %dma_wait3A_490] : memref<6553600x16xf32, #tpu.memory_space<hbm>> -> memref<6553600x16xf32, #tpu.memory_space<hbm>>
      tpu.wait_indirect_dma semaphore(%arg10 : memref<!tpu.dma_semaphore, #tpu.memory_space<semaphore_mem>>) src(%dma_wait3A_485 : memref<128x16xf32, #tpu.memory_space<vmem>>) dst(%dma_wait3A_491 : memref<6553600x16xf32, #tpu.memory_space<hbm>>)
      %dma_wait3A_492 = arith.constant 8 : i32
      %dma_wait3A_493 = arith.constant 1024 : i32
      %dma_wait3A_494 = arith.constant 0 : i32
      %dma_wait3A_495 = tpu.memref_slice %arg8[%dma_wait3A_493, %dma_wait3A_494] : memref<1280x16xf32, #tpu.memory_space<vmem>> -> memref<128x16xf32, #tpu.memory_space<vmem>>
      %dma_wait3A_496 = arith.constant 0 : i32
      %dma_wait3A_497 = tpu.memref_slice %arg7[%dma_wait3A_492, %dma_wait3A_496] : memref<10x128xi32, #tpu.memory_space<vmem>> -> memref<1x128xi32, #tpu.memory_space<vmem>>
      %dma_wait3A_498 = tpu.memref_squeeze %dma_wait3A_497 : memref<1x128xi32, #tpu.memory_space<vmem>> -> memref<128xi32, #tpu.memory_space<vmem>>
      %dma_wait3A_499 = arith.constant 0 : i32
      %dma_wait3A_500 = arith.constant 0 : i32
      %dma_wait3A_501 = tpu.memref_slice %arg5[%dma_wait3A_499, %dma_wait3A_500] : memref<6553600x16xf32, #tpu.memory_space<hbm>> -> memref<6553600x16xf32, #tpu.memory_space<hbm>>
      tpu.wait_indirect_dma semaphore(%arg10 : memref<!tpu.dma_semaphore, #tpu.memory_space<semaphore_mem>>) src(%dma_wait3A_495 : memref<128x16xf32, #tpu.memory_space<vmem>>) dst(%dma_wait3A_501 : memref<6553600x16xf32, #tpu.memory_space<hbm>>)
      %dma_wait3A_502 = arith.constant 9 : i32
      %dma_wait3A_503 = arith.constant 1152 : i32
      %dma_wait3A_504 = arith.constant 0 : i32
      %dma_wait3A_505 = tpu.memref_slice %arg8[%dma_wait3A_503, %dma_wait3A_504] : memref<1280x16xf32, #tpu.memory_space<vmem>> -> memref<128x16xf32, #tpu.memory_space<vmem>>
      %dma_wait3A_506 = arith.constant 0 : i32
      %dma_wait3A_507 = tpu.memref_slice %arg7[%dma_wait3A_502, %dma_wait3A_506] : memref<10x128xi32, #tpu.memory_space<vmem>> -> memref<1x128xi32, #tpu.memory_space<vmem>>
      %dma_wait3A_508 = tpu.memref_squeeze %dma_wait3A_507 : memref<1x128xi32, #tpu.memory_space<vmem>> -> memref<128xi32, #tpu.memory_space<vmem>>
      %dma_wait3A_509 = arith.constant 0 : i32
      %dma_wait3A_510 = arith.constant 0 : i32
      %dma_wait3A_511 = tpu.memref_slice %arg5[%dma_wait3A_509, %dma_wait3A_510] : memref<6553600x16xf32, #tpu.memory_space<hbm>> -> memref<6553600x16xf32, #tpu.memory_space<hbm>>
      tpu.wait_indirect_dma semaphore(%arg10 : memref<!tpu.dma_semaphore, #tpu.memory_space<semaphore_mem>>) src(%dma_wait3A_505 : memref<128x16xf32, #tpu.memory_space<vmem>>) dst(%dma_wait3A_511 : memref<6553600x16xf32, #tpu.memory_space<hbm>>)
    }
    %scan3A_7 = arith.constant 130 : i32
    return
  }
}

module attributes {stable_mosaic.version = 14 : i64} {
  func.func @_rnn_body(%arg0: i32, %arg1: memref<1x1024x512xf32, #tpu.memory_space<vmem>>, %arg2: memref<1x1024x512xf32, #tpu.memory_space<vmem>>, %arg3: memref<512x384xf32, #tpu.memory_space<vmem>>, %arg4: memref<128x384xf32, #tpu.memory_space<vmem>>, %arg5: memref<1x384xf32, #tpu.memory_space<vmem>>, %arg6: memref<1x384xf32, #tpu.memory_space<vmem>>, %arg7: memref<512x384xf32, #tpu.memory_space<vmem>>, %arg8: memref<128x384xf32, #tpu.memory_space<vmem>>, %arg9: memref<1x384xf32, #tpu.memory_space<vmem>>, %arg10: memref<1x384xf32, #tpu.memory_space<vmem>>, %arg11: memref<512x32xf32, #tpu.memory_space<vmem>>, %arg12: memref<1x32xf32, #tpu.memory_space<vmem>>, %arg13: memref<32x1xf32, #tpu.memory_space<vmem>>, %arg14: memref<1x1xf32, #tpu.memory_space<vmem>>, %arg15: memref<1024x1xf32, #tpu.memory_space<vmem>>, %arg16: memref<1024x128xf32, #tpu.memory_space<vmem>>, %arg17: memref<1024x128xf32, #tpu.memory_space<vmem>>, %arg18: memref<1024x128xf32, #tpu.memory_space<vmem>>, %arg19: memref<1024x128xf32, #tpu.memory_space<vmem>>, %arg20: memref<1024x128xf32, #tpu.memory_space<vmem>>, %arg21: memref<1024x128xf32, #tpu.memory_space<vmem>>) attributes {dimension_semantics = [#tpu.dimension_semantics<arbitrary>], iteration_bounds = array<i64: 200>, scalar_prefetch = 0 : i64, scratch_operands = 6 : i64, tpu.core_type = #tpu.core_type<tc>, window_params = [{transform_indices = @transform_0, window_bounds = array<i64: 1, 1024, 512>}, {transform_indices = @transform_1, window_bounds = array<i64: 1, 1024, 512>}, {pipeline_mode = #tpu.pipeline_mode<synchronous>, transform_indices = @transform_2, window_bounds = array<i64: 512, 384>}, {pipeline_mode = #tpu.pipeline_mode<synchronous>, transform_indices = @transform_3, window_bounds = array<i64: 128, 384>}, {pipeline_mode = #tpu.pipeline_mode<synchronous>, transform_indices = @transform_4, window_bounds = array<i64: 1, 384>}, {pipeline_mode = #tpu.pipeline_mode<synchronous>, transform_indices = @transform_5, window_bounds = array<i64: 1, 384>}, {pipeline_mode = #tpu.pipeline_mode<synchronous>, transform_indices = @transform_6, window_bounds = array<i64: 512, 384>}, {pipeline_mode = #tpu.pipeline_mode<synchronous>, transform_indices = @transform_7, window_bounds = array<i64: 128, 384>}, {pipeline_mode = #tpu.pipeline_mode<synchronous>, transform_indices = @transform_8, window_bounds = array<i64: 1, 384>}, {pipeline_mode = #tpu.pipeline_mode<synchronous>, transform_indices = @transform_9, window_bounds = array<i64: 1, 384>}, {pipeline_mode = #tpu.pipeline_mode<synchronous>, transform_indices = @transform_10, window_bounds = array<i64: 512, 32>}, {pipeline_mode = #tpu.pipeline_mode<synchronous>, transform_indices = @transform_11, window_bounds = array<i64: 1, 32>}, {pipeline_mode = #tpu.pipeline_mode<synchronous>, transform_indices = @transform_12, window_bounds = array<i64: 32, 1>}, {pipeline_mode = #tpu.pipeline_mode<synchronous>, transform_indices = @transform_13, window_bounds = array<i64: 1, 1>}, {pipeline_mode = #tpu.pipeline_mode<synchronous>, transform_indices = @transform_14, window_bounds = array<i64: 1024, 1>}]} {
    %eq3A = arith.constant 0 : i32
    %eq3A_0 = arith.cmpi eq, %arg0, %eq3A : i32
    %convert_element_type3A = arith.extui %eq3A_0 : i1 to i32
    %cond3A = arith.constant 0 : i32
    %cond3A_1 = arith.cmpi ne, %convert_element_type3A, %cond3A : i32
    scf.if %cond3A_1 {
      %broadcast_in_dim3A_153 = arith.constant 0.000000e+00 : f32
      %broadcast_in_dim3A_154 = vector.broadcast %broadcast_in_dim3A_153 : f32 to vector<1024x128xf32>
      %broadcast_in_dim3A_155 = arith.constant 0xFF800000 : f32
      %broadcast_in_dim3A_156 = vector.broadcast %broadcast_in_dim3A_155 : f32 to vector<1024x128xf32>
      %swap3A_157 = arith.constant 0 : index
      %swap3A_158 = arith.constant 0 : index
      %swap3A_159 = vector.load %arg16[%swap3A_157, %swap3A_158] : memref<1024x128xf32, #tpu.memory_space<vmem>>, vector<1024x128xf32>
      tpu.vector_store %arg16[%swap3A_157, %swap3A_158], %broadcast_in_dim3A_154 {strides = array<i32>} : memref<1024x128xf32, #tpu.memory_space<vmem>>, vector<1024x128xf32>,
      %swap3A_160 = arith.constant 0 : index
      %swap3A_161 = arith.constant 0 : index
      %swap3A_162 = vector.load %arg17[%swap3A_160, %swap3A_161] : memref<1024x128xf32, #tpu.memory_space<vmem>>, vector<1024x128xf32>
      tpu.vector_store %arg17[%swap3A_160, %swap3A_161], %broadcast_in_dim3A_154 {strides = array<i32>} : memref<1024x128xf32, #tpu.memory_space<vmem>>, vector<1024x128xf32>,
      %swap3A_163 = arith.constant 0 : index
      %swap3A_164 = arith.constant 0 : index
      %swap3A_165 = vector.load %arg20[%swap3A_163, %swap3A_164] : memref<1024x128xf32, #tpu.memory_space<vmem>>, vector<1024x128xf32>
      tpu.vector_store %arg20[%swap3A_163, %swap3A_164], %broadcast_in_dim3A_154 {strides = array<i32>} : memref<1024x128xf32, #tpu.memory_space<vmem>>, vector<1024x128xf32>,
      %swap3A_166 = arith.constant 0 : index
      %swap3A_167 = arith.constant 0 : index
      %swap3A_168 = vector.load %arg21[%swap3A_166, %swap3A_167] : memref<1024x128xf32, #tpu.memory_space<vmem>>, vector<1024x128xf32>
      tpu.vector_store %arg21[%swap3A_166, %swap3A_167], %broadcast_in_dim3A_154 {strides = array<i32>} : memref<1024x128xf32, #tpu.memory_space<vmem>>, vector<1024x128xf32>,
      %swap3A_169 = arith.constant 0 : index
      %swap3A_170 = arith.constant 0 : index
      %swap3A_171 = vector.load %arg18[%swap3A_169, %swap3A_170] : memref<1024x128xf32, #tpu.memory_space<vmem>>, vector<1024x128xf32>
      tpu.vector_store %arg18[%swap3A_169, %swap3A_170], %broadcast_in_dim3A_156 {strides = array<i32>} : memref<1024x128xf32, #tpu.memory_space<vmem>>, vector<1024x128xf32>,
      %swap3A_172 = arith.constant 0 : index
      %swap3A_173 = arith.constant 0 : index
      %swap3A_174 = vector.load %arg19[%swap3A_172, %swap3A_173] : memref<1024x128xf32, #tpu.memory_space<vmem>>, vector<1024x128xf32>
      tpu.vector_store %arg19[%swap3A_172, %swap3A_173], %broadcast_in_dim3A_156 {strides = array<i32>} : memref<1024x128xf32, #tpu.memory_space<vmem>>, vector<1024x128xf32>,
    } else {
    }
    %iota3A = tpu.iota {dimensions = array<i32: 1>} : vector<1024x512xi32>
    %lt3A = arith.constant 416 : i32
    %lt3A_2 = vector.broadcast %lt3A : i32 to vector<1024x512xi32>
    %lt3A_3 = arith.cmpi slt, %iota3A, %lt3A_2 : vector<1024x512xi32>
    %get3A = arith.constant 0 : index
    %get3A_4 = arith.constant 0 : index
    %get3A_5 = arith.constant 0 : index
    %get3A_6 = vector.load %arg1[%get3A, %get3A_4, %get3A_5] : memref<1x1024x512xf32, #tpu.memory_space<vmem>>, vector<1x1024x512xf32>
    %get3A_7 = vector.shape_cast %get3A_6 : vector<1x1024x512xf32> to vector<1024x512xf32>
    %jit3A = arith.constant 0.000000e+00 : f32
    %broadcast_in_dim3A = vector.broadcast %jit3A : f32 to vector<1024x512xf32>
    %select_n3A = arith.select %lt3A_3, %get3A_7, %broadcast_in_dim3A : vector<1024x512xi1>, vector<1024x512xf32>
    %lt3A_8 = arith.constant 416 : i32
    %lt3A_9 = vector.broadcast %lt3A_8 : i32 to vector<1024x512xi32>
    %lt3A_10 = arith.cmpi slt, %iota3A, %lt3A_9 : vector<1024x512xi32>
    %get3A_11 = arith.constant 0 : index
    %get3A_12 = arith.constant 0 : index
    %get3A_13 = arith.constant 0 : index
    %get3A_14 = vector.load %arg2[%get3A_11, %get3A_12, %get3A_13] : memref<1x1024x512xf32, #tpu.memory_space<vmem>>, vector<1x1024x512xf32>
    %get3A_15 = vector.shape_cast %get3A_14 : vector<1x1024x512xf32> to vector<1024x512xf32>
    %jit3A_16 = arith.constant 0.000000e+00 : f32
    %broadcast_in_dim3A_17 = vector.broadcast %jit3A_16 : f32 to vector<1024x512xf32>
    %select_n3A_18 = arith.select %lt3A_10, %get3A_15, %broadcast_in_dim3A_17 : vector<1024x512xi1>, vector<1024x512xf32>
    %get3A_19 = arith.constant 0 : index
    %get3A_20 = arith.constant 0 : index
    %get3A_21 = vector.load %arg16[%get3A_19, %get3A_20] : memref<1024x128xf32, #tpu.memory_space<vmem>>, vector<1024x128xf32>
    %get3A_22 = arith.constant 0 : index
    %get3A_23 = arith.constant 0 : index
    %get3A_24 = vector.load %arg3[%get3A_22, %get3A_23] : memref<512x384xf32, #tpu.memory_space<vmem>>, vector<512x384xf32>
    %dot_general3A = arith.constant dense<0.000000e+00> : vector<1024x384xf32>
    %dot_general3A_25 = tpu.matmul %select_n3A, %get3A_24, %dot_general3A {dimension_numbers = #tpu.dot_dimension_numbers<[1], [0], [0], [1], [0, 0, 1, 1], [], []>, transpose_lhs_hint = false} : vector<1024x512xf32>, vector<512x384xf32>, vector<1024x384xf32> -> vector<1024x384xf32>
    %get3A_26 = arith.constant 0 : index
    %get3A_27 = arith.constant 0 : index
    %get3A_28 = vector.load %arg5[%get3A_26, %get3A_27] : memref<1x384xf32, #tpu.memory_space<vmem>>, vector<1x384xf32>
    %add3A = vector.broadcast %get3A_28 : vector<1x384xf32> to vector<1024x384xf32>
    %add3A_29 = arith.addf %dot_general3A_25, %add3A : vector<1024x384xf32>
    %get3A_30 = arith.constant 0 : index
    %get3A_31 = arith.constant 0 : index
    %get3A_32 = vector.load %arg4[%get3A_30, %get3A_31] : memref<128x384xf32, #tpu.memory_space<vmem>>, vector<128x384xf32>
    %dot_general3A_33 = arith.constant dense<0.000000e+00> : vector<1024x384xf32>
    %dot_general3A_34 = tpu.matmul %get3A_21, %get3A_32, %dot_general3A_33 {dimension_numbers = #tpu.dot_dimension_numbers<[1], [0], [0], [1], [0, 0, 1, 1], [], []>, transpose_lhs_hint = false} : vector<1024x128xf32>, vector<128x384xf32>, vector<1024x384xf32> -> vector<1024x384xf32>
    %get3A_35 = arith.constant 0 : index
    %get3A_36 = arith.constant 0 : index
    %get3A_37 = vector.load %arg6[%get3A_35, %get3A_36] : memref<1x384xf32, #tpu.memory_space<vmem>>, vector<1x384xf32>
    %add3A_38 = vector.broadcast %get3A_37 : vector<1x384xf32> to vector<1024x384xf32>
    %add3A_39 = arith.addf %dot_general3A_34, %add3A_38 : vector<1024x384xf32>
    %slice3A = vector.extract_strided_slice %add3A_29 {offsets = [0, 0], sizes = [1024, 128], strides = [1, 1]} : vector<1024x384xf32> to vector<1024x128xf32>
    %slice3A_40 = vector.extract_strided_slice %add3A_29 {offsets = [0, 128], sizes = [1024, 128], strides = [1, 1]} : vector<1024x384xf32> to vector<1024x128xf32>
    %slice3A_41 = vector.extract_strided_slice %add3A_29 {offsets = [0, 256], sizes = [1024, 128], strides = [1, 1]} : vector<1024x384xf32> to vector<1024x128xf32>
    %slice3A_42 = vector.extract_strided_slice %add3A_39 {offsets = [0, 0], sizes = [1024, 128], strides = [1, 1]} : vector<1024x384xf32> to vector<1024x128xf32>
    %slice3A_43 = vector.extract_strided_slice %add3A_39 {offsets = [0, 128], sizes = [1024, 128], strides = [1, 1]} : vector<1024x384xf32> to vector<1024x128xf32>
    %slice3A_44 = vector.extract_strided_slice %add3A_39 {offsets = [0, 256], sizes = [1024, 128], strides = [1, 1]} : vector<1024x384xf32> to vector<1024x128xf32>
    %add3A_45 = arith.addf %slice3A, %slice3A_42 : vector<1024x128xf32>
    %logistic3A = arith.negf %add3A_45 : vector<1024x128xf32>
    %logistic3A_46 = math.exp %logistic3A : vector<1024x128xf32>
    %logistic3A_47 = arith.constant 1.000000e+00 : f32
    %logistic3A_48 = vector.broadcast %logistic3A_47 : f32 to vector<1024x128xf32>
    %logistic3A_49 = arith.addf %logistic3A_48, %logistic3A_46 : vector<1024x128xf32>
    %logistic3A_50 = arith.divf %logistic3A_48, %logistic3A_49 : vector<1024x128xf32>
    %add3A_51 = arith.addf %slice3A_40, %slice3A_43 : vector<1024x128xf32>
    %logistic3A_52 = arith.negf %add3A_51 : vector<1024x128xf32>
    %logistic3A_53 = math.exp %logistic3A_52 : vector<1024x128xf32>
    %logistic3A_54 = arith.constant 1.000000e+00 : f32
    %logistic3A_55 = vector.broadcast %logistic3A_54 : f32 to vector<1024x128xf32>
    %logistic3A_56 = arith.addf %logistic3A_55, %logistic3A_53 : vector<1024x128xf32>
    %logistic3A_57 = arith.divf %logistic3A_55, %logistic3A_56 : vector<1024x128xf32>
    %mul3A = arith.mulf %logistic3A_50, %slice3A_44 : vector<1024x128xf32>
    %add3A_58 = arith.addf %slice3A_41, %mul3A : vector<1024x128xf32>
    %tanh3A = math.tanh %add3A_58 : vector<1024x128xf32>
    %sub3A = arith.constant 1.000000e+00 : f32
    %sub3A_59 = vector.broadcast %sub3A : f32 to vector<1024x128xf32>
    %sub3A_60 = arith.subf %sub3A_59, %logistic3A_57 : vector<1024x128xf32>
    %mul3A_61 = arith.mulf %sub3A_60, %tanh3A : vector<1024x128xf32>
    %mul3A_62 = arith.mulf %logistic3A_57, %get3A_21 : vector<1024x128xf32>
    %add3A_63 = arith.addf %mul3A_61, %mul3A_62 : vector<1024x128xf32>
    %get3A_64 = arith.constant 0 : index
    %get3A_65 = arith.constant 0 : index
    %get3A_66 = vector.load %arg17[%get3A_64, %get3A_65] : memref<1024x128xf32, #tpu.memory_space<vmem>>, vector<1024x128xf32>
    %get3A_67 = arith.constant 0 : index
    %get3A_68 = arith.constant 0 : index
    %get3A_69 = vector.load %arg7[%get3A_67, %get3A_68] : memref<512x384xf32, #tpu.memory_space<vmem>>, vector<512x384xf32>
    %dot_general3A_70 = arith.constant dense<0.000000e+00> : vector<1024x384xf32>
    %dot_general3A_71 = tpu.matmul %select_n3A_18, %get3A_69, %dot_general3A_70 {dimension_numbers = #tpu.dot_dimension_numbers<[1], [0], [0], [1], [0, 0, 1, 1], [], []>, transpose_lhs_hint = false} : vector<1024x512xf32>, vector<512x384xf32>, vector<1024x384xf32> -> vector<1024x384xf32>
    %get3A_72 = arith.constant 0 : index
    %get3A_73 = arith.constant 0 : index
    %get3A_74 = vector.load %arg9[%get3A_72, %get3A_73] : memref<1x384xf32, #tpu.memory_space<vmem>>, vector<1x384xf32>
    %add3A_75 = vector.broadcast %get3A_74 : vector<1x384xf32> to vector<1024x384xf32>
    %add3A_76 = arith.addf %dot_general3A_71, %add3A_75 : vector<1024x384xf32>
    %get3A_77 = arith.constant 0 : index
    %get3A_78 = arith.constant 0 : index
    %get3A_79 = vector.load %arg8[%get3A_77, %get3A_78] : memref<128x384xf32, #tpu.memory_space<vmem>>, vector<128x384xf32>
    %dot_general3A_80 = arith.constant dense<0.000000e+00> : vector<1024x384xf32>
    %dot_general3A_81 = tpu.matmul %get3A_66, %get3A_79, %dot_general3A_80 {dimension_numbers = #tpu.dot_dimension_numbers<[1], [0], [0], [1], [0, 0, 1, 1], [], []>, transpose_lhs_hint = false} : vector<1024x128xf32>, vector<128x384xf32>, vector<1024x384xf32> -> vector<1024x384xf32>
    %get3A_82 = arith.constant 0 : index
    %get3A_83 = arith.constant 0 : index
    %get3A_84 = vector.load %arg10[%get3A_82, %get3A_83] : memref<1x384xf32, #tpu.memory_space<vmem>>, vector<1x384xf32>
    %add3A_85 = vector.broadcast %get3A_84 : vector<1x384xf32> to vector<1024x384xf32>
    %add3A_86 = arith.addf %dot_general3A_81, %add3A_85 : vector<1024x384xf32>
    %slice3A_87 = vector.extract_strided_slice %add3A_76 {offsets = [0, 0], sizes = [1024, 128], strides = [1, 1]} : vector<1024x384xf32> to vector<1024x128xf32>
    %slice3A_88 = vector.extract_strided_slice %add3A_76 {offsets = [0, 128], sizes = [1024, 128], strides = [1, 1]} : vector<1024x384xf32> to vector<1024x128xf32>
    %slice3A_89 = vector.extract_strided_slice %add3A_76 {offsets = [0, 256], sizes = [1024, 128], strides = [1, 1]} : vector<1024x384xf32> to vector<1024x128xf32>
    %slice3A_90 = vector.extract_strided_slice %add3A_86 {offsets = [0, 0], sizes = [1024, 128], strides = [1, 1]} : vector<1024x384xf32> to vector<1024x128xf32>
    %slice3A_91 = vector.extract_strided_slice %add3A_86 {offsets = [0, 128], sizes = [1024, 128], strides = [1, 1]} : vector<1024x384xf32> to vector<1024x128xf32>
    %slice3A_92 = vector.extract_strided_slice %add3A_86 {offsets = [0, 256], sizes = [1024, 128], strides = [1, 1]} : vector<1024x384xf32> to vector<1024x128xf32>
    %add3A_93 = arith.addf %slice3A_87, %slice3A_90 : vector<1024x128xf32>
    %logistic3A_94 = arith.negf %add3A_93 : vector<1024x128xf32>
    %logistic3A_95 = math.exp %logistic3A_94 : vector<1024x128xf32>
    %logistic3A_96 = arith.constant 1.000000e+00 : f32
    %logistic3A_97 = vector.broadcast %logistic3A_96 : f32 to vector<1024x128xf32>
    %logistic3A_98 = arith.addf %logistic3A_97, %logistic3A_95 : vector<1024x128xf32>
    %logistic3A_99 = arith.divf %logistic3A_97, %logistic3A_98 : vector<1024x128xf32>
    %add3A_100 = arith.addf %slice3A_88, %slice3A_91 : vector<1024x128xf32>
    %logistic3A_101 = arith.negf %add3A_100 : vector<1024x128xf32>
    %logistic3A_102 = math.exp %logistic3A_101 : vector<1024x128xf32>
    %logistic3A_103 = arith.constant 1.000000e+00 : f32
    %logistic3A_104 = vector.broadcast %logistic3A_103 : f32 to vector<1024x128xf32>
    %logistic3A_105 = arith.addf %logistic3A_104, %logistic3A_102 : vector<1024x128xf32>
    %logistic3A_106 = arith.divf %logistic3A_104, %logistic3A_105 : vector<1024x128xf32>
    %mul3A_107 = arith.mulf %logistic3A_99, %slice3A_92 : vector<1024x128xf32>
    %add3A_108 = arith.addf %slice3A_89, %mul3A_107 : vector<1024x128xf32>
    %tanh3A_109 = math.tanh %add3A_108 : vector<1024x128xf32>
    %sub3A_110 = arith.constant 1.000000e+00 : f32
    %sub3A_111 = vector.broadcast %sub3A_110 : f32 to vector<1024x128xf32>
    %sub3A_112 = arith.subf %sub3A_111, %logistic3A_106 : vector<1024x128xf32>
    %mul3A_113 = arith.mulf %sub3A_112, %tanh3A_109 : vector<1024x128xf32>
    %mul3A_114 = arith.mulf %logistic3A_106, %get3A_66 : vector<1024x128xf32>
    %add3A_115 = arith.addf %mul3A_113, %mul3A_114 : vector<1024x128xf32>
    %swap3A = arith.constant 0 : index
    %swap3A_116 = arith.constant 0 : index
    %swap3A_117 = vector.load %arg16[%swap3A, %swap3A_116] : memref<1024x128xf32, #tpu.memory_space<vmem>>, vector<1024x128xf32>
    tpu.vector_store %arg16[%swap3A, %swap3A_116], %add3A_63 {strides = array<i32>} : memref<1024x128xf32, #tpu.memory_space<vmem>>, vector<1024x128xf32>,
    %swap3A_118 = arith.constant 0 : index
    %swap3A_119 = arith.constant 0 : index
    %swap3A_120 = vector.load %arg17[%swap3A_118, %swap3A_119] : memref<1024x128xf32, #tpu.memory_space<vmem>>, vector<1024x128xf32>
    tpu.vector_store %arg17[%swap3A_118, %swap3A_119], %add3A_115 {strides = array<i32>} : memref<1024x128xf32, #tpu.memory_space<vmem>>, vector<1024x128xf32>,
    %get3A_121 = arith.constant 0 : index
    %get3A_122 = arith.constant 0 : index
    %get3A_123 = vector.load %arg18[%get3A_121, %get3A_122] : memref<1024x128xf32, #tpu.memory_space<vmem>>, vector<1024x128xf32>
    %max3A = arith.maximumf %get3A_123, %add3A_63 : vector<1024x128xf32>
    %swap3A_124 = arith.constant 0 : index
    %swap3A_125 = arith.constant 0 : index
    %swap3A_126 = vector.load %arg18[%swap3A_124, %swap3A_125] : memref<1024x128xf32, #tpu.memory_space<vmem>>, vector<1024x128xf32>
    tpu.vector_store %arg18[%swap3A_124, %swap3A_125], %max3A {strides = array<i32>} : memref<1024x128xf32, #tpu.memory_space<vmem>>, vector<1024x128xf32>,
    %get3A_127 = arith.constant 0 : index
    %get3A_128 = arith.constant 0 : index
    %get3A_129 = vector.load %arg19[%get3A_127, %get3A_128] : memref<1024x128xf32, #tpu.memory_space<vmem>>, vector<1024x128xf32>
    %max3A_130 = arith.maximumf %get3A_129, %add3A_115 : vector<1024x128xf32>
    %swap3A_131 = arith.constant 0 : index
    %swap3A_132 = arith.constant 0 : index
    %swap3A_133 = vector.load %arg19[%swap3A_131, %swap3A_132] : memref<1024x128xf32, #tpu.memory_space<vmem>>, vector<1024x128xf32>
    tpu.vector_store %arg19[%swap3A_131, %swap3A_132], %max3A_130 {strides = array<i32>} : memref<1024x128xf32, #tpu.memory_space<vmem>>, vector<1024x128xf32>,
    %get3A_134 = arith.constant 0 : index
    %get3A_135 = arith.constant 0 : index
    %get3A_136 = vector.load %arg20[%get3A_134, %get3A_135] : memref<1024x128xf32, #tpu.memory_space<vmem>>, vector<1024x128xf32>
    %add3A_137 = arith.addf %get3A_136, %add3A_63 : vector<1024x128xf32>
    %swap3A_138 = arith.constant 0 : index
    %swap3A_139 = arith.constant 0 : index
    %swap3A_140 = vector.load %arg20[%swap3A_138, %swap3A_139] : memref<1024x128xf32, #tpu.memory_space<vmem>>, vector<1024x128xf32>
    tpu.vector_store %arg20[%swap3A_138, %swap3A_139], %add3A_137 {strides = array<i32>} : memref<1024x128xf32, #tpu.memory_space<vmem>>, vector<1024x128xf32>,
    %get3A_141 = arith.constant 0 : index
    %get3A_142 = arith.constant 0 : index
    %get3A_143 = vector.load %arg21[%get3A_141, %get3A_142] : memref<1024x128xf32, #tpu.memory_space<vmem>>, vector<1024x128xf32>
    %add3A_144 = arith.addf %get3A_143, %add3A_115 : vector<1024x128xf32>
    %swap3A_145 = arith.constant 0 : index
    %swap3A_146 = arith.constant 0 : index
    %swap3A_147 = vector.load %arg21[%swap3A_145, %swap3A_146] : memref<1024x128xf32, #tpu.memory_space<vmem>>, vector<1024x128xf32>
    tpu.vector_store %arg21[%swap3A_145, %swap3A_146], %add3A_144 {strides = array<i32>} : memref<1024x128xf32, #tpu.memory_space<vmem>>, vector<1024x128xf32>,
    %eq3A_148 = arith.constant 199 : i32
    %eq3A_149 = arith.cmpi eq, %arg0, %eq3A_148 : i32
    %convert_element_type3A_150 = arith.extui %eq3A_149 : i1 to i32
    %cond3A_151 = arith.constant 0 : i32
    %cond3A_152 = arith.cmpi ne, %convert_element_type3A_150, %cond3A_151 : i32
    scf.if %cond3A_152 {
      %get3A_153 = arith.constant 0 : index
      %get3A_154 = arith.constant 0 : index
      %get3A_155 = vector.load %arg18[%get3A_153, %get3A_154] : memref<1024x128xf32, #tpu.memory_space<vmem>>, vector<1024x128xf32>
      %get3A_156 = arith.constant 0 : index
      %get3A_157 = arith.constant 0 : index
      %get3A_158 = vector.load %arg19[%get3A_156, %get3A_157] : memref<1024x128xf32, #tpu.memory_space<vmem>>, vector<1024x128xf32>
      %get3A_159 = arith.constant 0 : index
      %get3A_160 = arith.constant 0 : index
      %get3A_161 = vector.load %arg20[%get3A_159, %get3A_160] : memref<1024x128xf32, #tpu.memory_space<vmem>>, vector<1024x128xf32>
      %mul3A_162 = arith.constant 5.000000e-03 : f32
      %mul3A_163 = vector.broadcast %mul3A_162 : f32 to vector<1024x128xf32>
      %mul3A_164 = arith.mulf %get3A_161, %mul3A_163 : vector<1024x128xf32>
      %get3A_165 = arith.constant 0 : index
      %get3A_166 = arith.constant 0 : index
      %get3A_167 = vector.load %arg21[%get3A_165, %get3A_166] : memref<1024x128xf32, #tpu.memory_space<vmem>>, vector<1024x128xf32>
      %mul3A_168 = arith.constant 5.000000e-03 : f32
      %mul3A_169 = vector.broadcast %mul3A_168 : f32 to vector<1024x128xf32>
      %mul3A_170 = arith.mulf %get3A_167, %mul3A_169 : vector<1024x128xf32>
      %concatenate3A = tpu.concatenate %get3A_155, %get3A_158, %mul3A_164, %mul3A_170 in 1 : vector<1024x128xf32>, vector<1024x128xf32>, vector<1024x128xf32>, vector<1024x128xf32> -> vector<1024x512xf32>
      %get3A_171 = arith.constant 0 : index
      %get3A_172 = arith.constant 0 : index
      %get3A_173 = vector.load %arg11[%get3A_171, %get3A_172] : memref<512x32xf32, #tpu.memory_space<vmem>>, vector<512x32xf32>
      %dot_general3A_174 = arith.constant dense<0.000000e+00> : vector<1024x32xf32>
      %dot_general3A_175 = tpu.matmul %concatenate3A, %get3A_173, %dot_general3A_174 {dimension_numbers = #tpu.dot_dimension_numbers<[1], [0], [0], [1], [0, 0, 1, 1], [], []>, transpose_lhs_hint = false} : vector<1024x512xf32>, vector<512x32xf32>, vector<1024x32xf32> -> vector<1024x32xf32>
      %get3A_176 = arith.constant 0 : index
      %get3A_177 = arith.constant 0 : index
      %get3A_178 = vector.load %arg12[%get3A_176, %get3A_177] : memref<1x32xf32, #tpu.memory_space<vmem>>, vector<1x32xf32>
      %add3A_179 = vector.broadcast %get3A_178 : vector<1x32xf32> to vector<1024x32xf32>
      %add3A_180 = arith.addf %dot_general3A_175, %add3A_179 : vector<1024x32xf32>
      %max3A_181 = arith.constant 0.000000e+00 : f32
      %max3A_182 = vector.broadcast %max3A_181 : f32 to vector<1024x32xf32>
      %max3A_183 = arith.maximumf %add3A_180, %max3A_182 : vector<1024x32xf32>
      %get3A_184 = arith.constant 0 : index
      %get3A_185 = arith.constant 0 : index
      %get3A_186 = vector.load %arg13[%get3A_184, %get3A_185] : memref<32x1xf32, #tpu.memory_space<vmem>>, vector<32x1xf32>
      %dot_general3A_187 = arith.constant dense<0.000000e+00> : vector<1024x1xf32>
      %dot_general3A_188 = tpu.matmul %max3A_183, %get3A_186, %dot_general3A_187 {dimension_numbers = #tpu.dot_dimension_numbers<[1], [0], [0], [1], [0, 0, 1, 1], [], []>, transpose_lhs_hint = false} : vector<1024x32xf32>, vector<32x1xf32>, vector<1024x1xf32> -> vector<1024x1xf32>
      %get3A_189 = arith.constant 0 : index
      %get3A_190 = arith.constant 0 : index
      %get3A_191 = vector.load %arg14[%get3A_189, %get3A_190] : memref<1x1xf32, #tpu.memory_space<vmem>>, vector<1x1xf32>
      %add3A_192 = vector.broadcast %get3A_191 : vector<1x1xf32> to vector<1024x1xf32>
      %add3A_193 = arith.addf %dot_general3A_188, %add3A_192 : vector<1024x1xf32>
      %swap3A_194 = arith.constant 0 : index
      %swap3A_195 = arith.constant 0 : index
      %swap3A_196 = vector.load %arg15[%swap3A_194, %swap3A_195] : memref<1024x1xf32, #tpu.memory_space<vmem>>, vector<1024x1xf32>
      tpu.vector_store %arg15[%swap3A_194, %swap3A_195], %add3A_193 {strides = array<i32>} : memref<1024x1xf32, #tpu.memory_space<vmem>>, vector<1024x1xf32>,
    } else {
    }
    return
  }
  func.func @transform_0(%arg0: i32) -> (i32, i32, i32) {
    %c0_i32 = arith.constant 0 : i32
    %c0_i32_0 = arith.constant 0 : i32
    %c0_i32_1 = arith.constant 0 : i32
    return %arg0, %c0_i32, %c0_i32_0 : i32, i32, i32
  }
  func.func @transform_1(%arg0: i32) -> (i32, i32, i32) {
    %sub3A = arith.constant 199 : i32
    %sub3A_0 = arith.subi %sub3A, %arg0 : i32
    %c0_i32 = arith.constant 0 : i32
    %c0_i32_1 = arith.constant 0 : i32
    %c0_i32_2 = arith.constant 0 : i32
    return %sub3A_0, %c0_i32, %c0_i32_1 : i32, i32, i32
  }
  func.func @transform_2(%arg0: i32) -> (i32, i32) {
    %c0_i32 = arith.constant 0 : i32
    %c0_i32_0 = arith.constant 0 : i32
    %c0_i32_1 = arith.constant 0 : i32
    return %c0_i32, %c0_i32_0 : i32, i32
  }
  func.func @transform_3(%arg0: i32) -> (i32, i32) {
    %c0_i32 = arith.constant 0 : i32
    %c0_i32_0 = arith.constant 0 : i32
    %c0_i32_1 = arith.constant 0 : i32
    return %c0_i32, %c0_i32_0 : i32, i32
  }
  func.func @transform_4(%arg0: i32) -> (i32, i32) {
    %c0_i32 = arith.constant 0 : i32
    %c0_i32_0 = arith.constant 0 : i32
    %c0_i32_1 = arith.constant 0 : i32
    return %c0_i32, %c0_i32_0 : i32, i32
  }
  func.func @transform_5(%arg0: i32) -> (i32, i32) {
    %c0_i32 = arith.constant 0 : i32
    %c0_i32_0 = arith.constant 0 : i32
    %c0_i32_1 = arith.constant 0 : i32
    return %c0_i32, %c0_i32_0 : i32, i32
  }
  func.func @transform_6(%arg0: i32) -> (i32, i32) {
    %c0_i32 = arith.constant 0 : i32
    %c0_i32_0 = arith.constant 0 : i32
    %c0_i32_1 = arith.constant 0 : i32
    return %c0_i32, %c0_i32_0 : i32, i32
  }
  func.func @transform_7(%arg0: i32) -> (i32, i32) {
    %c0_i32 = arith.constant 0 : i32
    %c0_i32_0 = arith.constant 0 : i32
    %c0_i32_1 = arith.constant 0 : i32
    return %c0_i32, %c0_i32_0 : i32, i32
  }
  func.func @transform_8(%arg0: i32) -> (i32, i32) {
    %c0_i32 = arith.constant 0 : i32
    %c0_i32_0 = arith.constant 0 : i32
    %c0_i32_1 = arith.constant 0 : i32
    return %c0_i32, %c0_i32_0 : i32, i32
  }
  func.func @transform_9(%arg0: i32) -> (i32, i32) {
    %c0_i32 = arith.constant 0 : i32
    %c0_i32_0 = arith.constant 0 : i32
    %c0_i32_1 = arith.constant 0 : i32
    return %c0_i32, %c0_i32_0 : i32, i32
  }
  func.func @transform_10(%arg0: i32) -> (i32, i32) {
    %c0_i32 = arith.constant 0 : i32
    %c0_i32_0 = arith.constant 0 : i32
    %c0_i32_1 = arith.constant 0 : i32
    return %c0_i32, %c0_i32_0 : i32, i32
  }
  func.func @transform_11(%arg0: i32) -> (i32, i32) {
    %c0_i32 = arith.constant 0 : i32
    %c0_i32_0 = arith.constant 0 : i32
    %c0_i32_1 = arith.constant 0 : i32
    return %c0_i32, %c0_i32_0 : i32, i32
  }
  func.func @transform_12(%arg0: i32) -> (i32, i32) {
    %c0_i32 = arith.constant 0 : i32
    %c0_i32_0 = arith.constant 0 : i32
    %c0_i32_1 = arith.constant 0 : i32
    return %c0_i32, %c0_i32_0 : i32, i32
  }
  func.func @transform_13(%arg0: i32) -> (i32, i32) {
    %c0_i32 = arith.constant 0 : i32
    %c0_i32_0 = arith.constant 0 : i32
    %c0_i32_1 = arith.constant 0 : i32
    return %c0_i32, %c0_i32_0 : i32, i32
  }
  func.func @transform_14(%arg0: i32) -> (i32, i32) {
    %c0_i32 = arith.constant 0 : i32
    %c0_i32_0 = arith.constant 0 : i32
    %c0_i32_1 = arith.constant 0 : i32
    return %c0_i32, %c0_i32_0 : i32, i32
  }
}

</mosaic_0001>

<sc_bundles>
// kernel: kernel.4.cloned.1.call-start
scs
__scs_entry_jumppad:
0x0: {  	(pc) =	sbr.rel $0x88, $3  }
0x1: {  	(tag) =	ssettag $0x0;
	lr =	simm.s32 $0x1  }
0x2: {  	[smem:$0x3F93] =	sst lr;
	_ =	strace $0xD0000000  }
0x3: {  	_ = 	snop  }
0x4: {  	_ = 	snop  }
0x5: {  	_ = 	snop  }
0x6: {  	_ = 	snop  }
0x7: {  	_ = 	snop  }
__scs_overlays_trampoline_lowered:
0x8: {  	[smem:$0x3FA2] =	sst s0  }
0x9: {  	[smem:$0x3FA3] =	sst s1  }
0xa: {  	[smem:$0x3FA4] =	sst s2  }
0xb: {  	[smem:$0x3FA5] =	sst s3  }
0xc: {  	[smem:$0x3FA6] =	sst s4  }
0xd: {  	[smem:$0x3FA7] =	sst s5  }
0xe: {  	[smem:$0x3FA8] =	sst s6  }
0xf: {  	[smem:$0x3FA9] =	sst s7  }
0x10: {  	[smem:$0x3FAA] =	sst s8  }
0x11: {  	[smem:$0x3FAB] =	sst s9;
	s0 =	simm.s32 @!p0 $0x0  }
0x12: {  	s1 =	sld [smem:$0x3F91];
	s0 =	simm.s32 @p0 $0x1  }
0x13: {  	[smem:$0x3FAC] =	sst s0;
	s0 =	simm.s32 @!p1 $0x0  }
0x14: {  	s2 =	sld [smem:$0x3F90];
	s0 =	simm.s32 @p1 $0x1  }
0x15: {  	[smem:$0x3FAD] =	sst s0;
	s0 =	simm.s32 @!p2 $0x0  }
0x16: {  	s3 =	sld [smem:$0x3FDB];
	s0 =	simm.s32 @p2 $0x1  }
0x17: {  	s4 =	simm.s32 $0x1BF5;
	[smem:$0x3FAF] =	sst s0  }
0x18: {  	s0 =	sld [smem:$0x3F92];
	_ =	swait.ge [sflag:s4], $0x0  }
0x19: {  	s7 =	sld [smem:$0x3F93]  }
0x1a: {  	s8 =	sadd.s32 $0xFFFFE003, lr  }
0x1b: {  	s9 =	sadd.s32 $0xFFFFFEF7, lr;
	s5 =	simm.s32 $0xFFFFFFFF;
	p2 =	slt.u32 s8, $0xFFFFF086  }
0x1c: {  	p1 =	slt.u32 s9, $0xF7A;
	s5 =	simm.s32 @!p2 $0x0  }
0x1d: {  	s5 =	simm.s32 @p1 $0x1;
	p0 =	seq.s32 s7, s2  }
0x1e: {  	s7 =	smul.u32 @!p0 $0xF7A, s2;
	p2 =	seq.s32 @!p0 s5, $0x0  }
0x1f: {  	s9 =	smul.u32 $0xF7A, s1;
	s8 =	simm.s32 @!p0 $0x1BF5;
	p2 =	por !p2, p0  }
0x20: {  	[sflag:s8] =	ssyncset.s32 @!p0 $0xFFFFF086;
	s6 =	sadd.s32 @!p0 s3, s7;
	s7 =	simm.s32 @!p0 $0x108  }
0x21: {  	s3 =	sadd.s32 s3, s9;
	s6 =	sadd.s32 @!p0 $0x88, s6;
	s7 =	simm.s32 @p2 $0x1082  }
0x22: {  	[simem:s7], [sflag:s8] =	dma.local @!p0 [hbm:s6], $0xF7A  }
0x23: {  	s9 =	sor.u32 $0xD0000000, s2;
	s6 =	simm.s32 $0x108;
	_ =	swait.ge @!p0 [sflag:s8], $0x0  }
0x24: {  	s3 =	sadd.s32 $0x88, s3;
	s6 =	simm.s32 @!p1 $0x1082;
	[sflag:s4] =	ssyncset.s32 $0xFFFFF086  }
0x25: {  	[simem:s6], [sflag:s4] =	dma.local [hbm:s3], $0xF7A  }
0x26: {  	[smem:$0x3F93] =	sst s1;
	(tag) =	ssettag s2;
	_ =	strace s9  }
0x27: {  	s1 =	sld [smem:$0x3FA3]  }
0x28: {  	s2 =	sld [smem:$0x3FA4]  }
0x29: {  	s4 =	sld [smem:$0x3FA6]  }
0x2a: {  	p0 =	seq.s32 s5, $0x0;
	s5 =	sld [smem:$0x3FA7]  }
0x2b: {  	s6 =	sld [smem:$0x3FA8]  }
0x2c: {  	s7 =	sld [smem:$0x3FA9]  }
0x2d: {  	s3 =	simm.s32 $0x108;
	s8 =	sld [smem:$0x3FAA]  }
0x2e: {  	s3 =	simm.s32 @!p0 $0x1082;
	s9 =	sld [smem:$0x3FAB]  }
0x2f: {  	lr =	sadd.s32 s0, s3;
	s0 =	sld [smem:$0x3FA2]  }
0x30: {  	s3 =	sld [smem:$0x3FA5]  }
0x31: {  	[smem:$0x3FAE] =	sst s10  }
0x32: {  	s10 =	sld [smem:$0x3FAC];
	_ =	sdelay $0x3  }
0x33: {  	p0 =	seq.s32 s10, $0x1;
	s10 =	sld [smem:$0x3FAE];
	_ =	sdelay $0x3  }
0x34: {  	[smem:$0x3FAE] =	sst s10  }
0x35: {  	s10 =	sld [smem:$0x3FAD];
	_ =	sdelay $0x3  }
0x36: {  	p1 =	seq.s32 s10, $0x1;
	s10 =	sld [smem:$0x3FAE];
	_ =	sdelay $0x3  }
0x37: {  	[smem:$0x3FAE] =	sst s10  }
0x38: {  	s10 =	sld [smem:$0x3FAF]  }
0x39: {  	_ = 	snop;
	(pc) =	sbr.ind lr, $3  }
0x3a: {  	_ = 	snop  }
0x3b: {  	_ = 	snop  }
0x3c: {  	p2 =	seq.s32 s10, $0x1;
	s10 =	sld [smem:$0x3FAE]  }
0x3d: {  	_ =	shalt  }
0x3e: {  	_ =	shalt  }
0x3f: {  	_ =	shalt  }
0x40: {  	_ =	shalt  }
0x41: {  	_ =	shalt  }
0x42: {  	_ =	shalt  }
0x43: {  	_ =	shalt  }
0x44: {  	_ =	shalt  }
0x45: {  	_ =	shalt  }
0x46: {  	_ =	shalt  }
0x47: {  	_ =	shalt  }
0x48: {  	_ =	shalt  }
0x49: {  	_ =	shalt  }
0x4a: {  	_ =	shalt  }
0x4b: {  	_ =	shalt  }
0x4c: {  	_ =	shalt  }
0x4d: {  	_ =	shalt  }
0x4e: {  	_ =	shalt  }
0x4f: {  	_ =	shalt  }
0x50: {  	_ =	shalt  }
0x51: {  	_ =	shalt  }
0x52: {  	_ =	shalt  }
0x53: {  	_ =	shalt  }
0x54: {  	_ =	shalt  }
0x55: {  	_ =	shalt  }
0x56: {  	_ =	shalt  }
0x57: {  	_ =	shalt  }
0x58: {  	_ =	shalt  }
0x59: {  	_ =	shalt  }
0x5a: {  	_ =	shalt  }
0x5b: {  	_ =	shalt  }
0x5c: {  	_ =	shalt  }
0x5d: {  	_ =	shalt  }
0x5e: {  	_ =	shalt  }
0x5f: {  	_ =	shalt  }
0x60: {  	_ =	shalt  }
0x61: {  	_ =	shalt  }
0x62: {  	_ =	shalt  }
0x63: {  	_ =	shalt  }
0x64: {  	_ =	shalt  }
0x65: {  	_ =	shalt  }
0x66: {  	_ =	shalt  }
0x67: {  	_ =	shalt  }
0x68: {  	_ =	shalt  }
0x69: {  	_ =	shalt  }
0x6a: {  	_ =	shalt  }
0x6b: {  	_ =	shalt  }
0x6c: {  	_ =	shalt  }
0x6d: {  	_ =	shalt  }
0x6e: {  	_ =	shalt  }
0x6f: {  	_ =	shalt  }
0x70: {  	_ =	shalt  }
0x71: {  	_ =	shalt  }
0x72: {  	_ =	shalt  }
0x73: {  	_ =	shalt  }
0x74: {  	_ =	shalt  }
0x75: {  	_ =	shalt  }
0x76: {  	_ =	shalt  }
0x77: {  	_ =	shalt  }
0x78: {  	_ =	shalt  }
0x79: {  	_ =	shalt  }
0x7a: {  	_ =	shalt  }
0x7b: {  	_ =	shalt  }
0x7c: {  	_ =	shalt  }
0x7d: {  	_ =	shalt  }
0x7e: {  	_ =	shalt  }
0x7f: {  	_ =	shalt  }
0x80: {  	_ =	shalt  }
0x81: {  	_ =	shalt  }
0x82: {  	_ =	shalt  }
0x83: {  	_ =	shalt  }
0x84: {  	_ =	shalt  }
0x85: {  	_ =	shalt  }
0x86: {  	_ =	shalt  }
0x87: {  	_ =	shalt  }
.Lfunc_end0:
.L_simem_size_0:
called_computation_lowered:
.L_overlay_start_0:
0x88: {  	s2 =	sld [smem:$0x3FD9]  }
0x89: {  	s3 =	sld [smem:$0x3FFE];
	_ =	sdelay $0x1  }
0x8a: {  	s1 =	srdreg.scid  }
0x8b: {  	s0 =	sand.u32 $0x1, s1  }
0x8c: {  	s16 =	sshll.u32 s0, $0xA;
	s2 =	sadd.s32 s3, s2  }
0x8d: {  	s2 =	sadd.s32 s2, s16  }
0x8e: {  	[smem:$0x3FBA] =	sst s2  }
0x8f: {  	_ = 	snop  }
0x90: {  	(tm) =	ssettm $0x1  }
0x91: {  	s17 =	sld [smem:$0x3FFB];
	_ =	sdelay $0x3  }
0x92: {  	_ =	strace s17  }
0x93: {  	s2 =	sld [smem:$0x3FFC];
	_ =	sdelay $0x3  }
0x94: {  	_ =	strace s2  }
0x95: {  	s2 =	sld [smem:$0x3FFD];
	_ =	sdelay $0x3  }
0x96: {  	_ =	strace s2  }
0x97: {  	_ =	strace $0x8FFFFFFF  }
0x98: {  	s18 =	sld [smem:$0x3FDB];
	_ =	sdelay $0x1  }
0x99: {  	s19 =	simm.s32 $_scs_section_size  }
0x9a: {  	s4 =	simm.s32 $_size__tile_overlayer_lowered;
	s5 =	simm.s32 $_tile_overlayer_lowered  }
0x9b: {  	s22 =	simm.s32 $0x1BFF;
	s21 =	sshll.u32 s5, $0x1;
	s2 =	sadd.s32 s19, s18  }
0x9c: {  	s6 =	simm.s32 $0x0;
	s20 =	sshll.u32 s4, $0x1;
	s4 =	sadd.s32 s21, s2  }
0x9d: {  	[timem:s6], [sflag:s22] =	dma.local [hbm:s4], s20  }
0x9e: {  	_ =	swait.ge [sflag:s22], s20  }
0x9f: {  	s3 =	ssub.s32 $0x0, s20;
	[sflag:s22] =	ssyncset.done $0x0  }
0xa0: {  	[sflag:s22] =	ssyncadd.s32 s3;
	_ =	sdelay $0x1  }
0xa1: {  	s23 =	simm.s32 $0x1B8B  }
0xa2: {  	_ =	swait.ge [sflag:s23], $0x1  }
0xa3: {  	[sflag:s23] =	ssyncset.done $0x0  }
0xa4: {  	s25 =	simm.s32 $0x1B8E;
	s24 =	sld [smem:$0x3FFE];
	[sflag:s23] =	ssyncadd.s32 $0xFFFFFFFF  }
0xa5: {  	s26 =	simm.s32 $execute0_lowered;
	[smem:$0x3FD2] =	sst s25  }
0xa6: {  	s4 =	sshll.u32 s26, $0x1;
	_ =	strace $0x80000046;
	[dreg:$0x1] =	wrdreg $0xFFFFFFFF  }
0xa7: {  	s28 =	simm.s32 $_size_execute0_lowered;
	s2 =	sadd.s32 s2, s4;
	[dreg:$0x0] =	wrdreg $0x0  }
0xa8: {  	s4 =	sshll.u32 s28, $0x1;
	[dreg:$0x2] =	wrdreg s2  }
0xa9: {  	[dreg:$0x3] =	wrdreg s4  }
0xaa: {  	[dreg:$0x4] =	wrdreg $0xC0  }
0xab: {  	_ =	task [dreg:s6], $0x5FFFF  }
0xac: {  	[dreg:$0x1] =	wrdreg $0xFFFFFFFF  }
0xad: {  	[dreg:$0x0] =	wrdreg $0x60  }
0xae: {  	[dreg:$0x2] =	wrdreg s24  }
0xaf: {  	[dreg:$0x3] =	wrdreg $0x9  }
0xb0: {  	_ =	task.clear_ibuf [dreg:s6], $0x4FFFF;
	_ =	strace $0x90000046  }
0xb1: {  	s29 =	simm.s32 $0x9;
	_ =	strace $0x80000048  }
0xb2: {  	_ =	swait.ge [sflag:s29], $0x1  }
0xb3: {  	[sflag:s29] =	ssyncadd.s32 $0xFFFFFFFF  }
0xb4: {  	_ =	strace $0x90000048  }
0xb5: {  	_ =	sfence  }
0xb6: {  	s30 =	sld [smem:$0x0];
	_ =	sdelay $0x2  }
0xb7: {  	s31 =	sshll.u32 s1, $0xD;
	s1 =	sshrl.u32 s1, $0x2  }
0xb8: {  	s3 =	sand.u32 $0x4000, s31;
	s1 =	sadd.s32 s1, s30  }
0xb9: {  	s0 =	sor.u32 s3, s0;
	s1 =	sshll.u32 s1, $0x11  }
0xba: {  	s0 =	sor.u32 s1, s0  }
0xbb: {  	s0 =	sadd.s32 $0x8F2B, s0  }
0xbc: {  	[sflag:s0] =	ssyncadd.remote.s32 $0x1  }
0xbd: {  	_ =	sfence.sel $0xFFFF  }
0xbe: {  	[dreg:$0x0] =	wrdreg $0xFFFFFFFF;
	(pc) =	sbr.abs _section_cstart, $3  }
0xbf: {  	[dreg:$0x1] =	wrdreg $0xFFFFFFFF  }
0xc0: {  	_ =	task.clear_ibuf [dreg:s6], $0x2FFFF;
	_ =	strace $0x9FFFFFFF  }
0xc1: {  	(tm) =	ssettm $0x7FFFFFFF  }
tec
execute0_lowered:
.L_overlay_start_1:
0x0: {  	(tag) =	ssettag $0x1  }
0x1: {  	s3 =	rddreg [dreg:$0x0]  }
0x2: {  	s2 =	simm.s32 $0x0;
	s0 =	stileid.u32;
	s4 =	srdreg.scid  }
0x3: {  	s30 =	simm.s32 $0x100;
	s31 =	simm.s32 $0x180;
	s11 =	simm.s32 $0x200  }
0x4: {  	s12 =	simm.s32 $0x280;
	s13 =	simm.s32 $0x300;
	s14 =	simm.s32 $0x380  }
0x5: {  	s15 =	simm.s32 $0x400;
	s16 =	simm.s32 $0x480;
	s17 =	simm.s32 $0x580  }
0x6: {  	s18 =	simm.s32 $0x600;
	[smem:$0x7FF] =	sst s2;
	s6 =	sadd.s32 $0x3400, s3  }
0x7: {  	s19 =	simm.s32 $0x680;
	_ =	strace $0x80000047;
	[dreg:$0x2] =	wrdreg s6  }
0x8: {  	s20 =	simm.s32 $0x700;
	s21 =	simm.s32 $0x800;
	[dreg:$0x5] =	wrdreg s30  }
0x9: {  	s22 =	simm.s32 $0x880;
	s23 =	simm.s32 $0x900;
	[dreg:$0x6] =	wrdreg s31  }
0xa: {  	s24 =	simm.s32 $0x980;
	s5 =	smul.u32 $0xA280, s0;
	[dreg:$0x7] =	wrdreg s11  }
0xb: {  	s4 =	sand.u32 $0x1, s4;
	s28 =	smul.u32 $0x104, s0;
	[dreg:$0x8] =	wrdreg s12  }
0xc: {  	s25 =	simm.s32 $0x2;
	s7 =	smul.u32 $0x5140, s4;
	[dreg:$0x9] =	wrdreg s13  }
0xd: {  	s26 =	ssub.s32 $0x2, s4;
	s10 =	smul.u32 $0x82, s4;
	[dreg:$0xa] =	wrdreg s14  }
0xe: {  	s6 =	simm.s32 $0x3;
	s11 =	simm.s32 $0x1A00;
	[dreg:$0xb] =	wrdreg s15  }
0xf: {  	s12 =	simm.s32 $0x2200;
	s13 =	simm.s32 $0x2A00;
	[dreg:$0xc] =	wrdreg s16  }
0x10: {  	s14 =	simm.s32 $0x3200;
	s15 =	simm.s32 $0x3A00;
	[dreg:$0xd] =	wrdreg s17  }
0x11: {  	s16 =	simm.s32 $0x4200;
	s17 =	simm.s32 $0x4A00;
	[dreg:$0xe] =	wrdreg s18  }
0x12: {  	s18 =	simm.s32 $0x5200;
	[dreg:$0xf] =	wrdreg s19;
	s19 =	simm.s32 $0x1  }
0x13: {  	[dreg:$0x10] =	wrdreg s20;
	s20 =	simm.s32 $0x780;
	s5 =	sadd.s32 s5, s3  }
0x14: {  	s3 =	sadd.s32 $0x63E400, s3;
	s8 =	sshrl.u32 s26, $0x1;
	s5 =	sadd.s32 s7, s5  }
0x15: {  	s29 =	ssub.s32 s26, s8;
	s7 =	simm.s32 $0x500;
	s9 =	sadd.s32 $0x4F9400, s5  }
0x16: {  	s8 =	simm.s32 $0x80;
	s5 =	sadd.s32 $0x59BC00, s5;
	[dreg:$0x3] =	wrdreg s9  }
0x17: {  	s26 =	simm.s32 $0x0;
	s4 =	smax.u32 s29, $0x1;
	[dreg:$0x4] =	wrdreg s5  }
0x18: {  	s5 =	sadd.s32 s10, s28;
	s9 =	simm.s32 $0xA00;
	s10 =	simm.s32 $0x1200  }
.LBB2_1:
0x19: {  	s28 =	rddreg [dreg:$0x4]  }
0x1a: {  	s28 =	sadd.s32 $0x0, s28  }
0x1b: {  	[tilespmem:s2], [sflag:$0x3] =	stream.linear.gather [hbm4b:s28+s2], $0x500, $0x38;
	[tilespmem:$0x5A00] =	vst v63  }
0x1c: {  	_ =	swait.ge [sflag:s6], $0x500  }
0x1d: {  	s28 =	rddreg [dreg:$0x3];
	[sflag:s6] =	ssyncset.done $0x0  }
0x1e: {  	s29 =	smulhi.u32 $0xCCCCCCCD, s5;
	[sflag:s6] =	ssyncadd.s32 $0xFFFFFB00;
	s28 =	sadd.s32 $0x0, s28  }
0x1f: {  	[tilespmem:s7], [sflag:$0x3] =	stream.linear.gather [hbm4b:s28+s2], $0x500, $0x38;
	[tilespmem:$0x5A00] =	vst v63  }
0x20: {  	s28 =	sshrl.u32 s29, $0x7  }
0x21: {  	_ =	swait.ge [sflag:s6], $0x500;
	s28 =	smul.u32 $0x30D80, s28  }
0x22: {  	s29 =	rddreg [dreg:$0x2];
	[sflag:s6] =	ssyncset.done $0x0  }
0x23: {  	[sflag:s6] =	ssyncadd.s32 $0xFFFFFB00;
	s28 =	sadd.s32 s29, s28  }
0x24: {  	[tilespmem:s9], [sflag:$0x1] =	stream.indirect.gather [hbm4b:s28+s8], $0x10, s2, s8, $0xb8;
	[tilespmem:$0x5A00] =	vst v63  }
0x25: {  	_ = 	snop  }
0x26: {  	[tilespmem:s10], [sflag:$0x1] =	stream.indirect.gather [hbm4b:s28+s8], $0x10, s8, s8, $0xb8;
	[tilespmem:$0x5A00] =	vst v63  }
0x27: {  	s29 =	rddreg [dreg:$0x5]  }
0x28: {  	[tilespmem:s11], [sflag:$0x1] =	stream.indirect.gather [hbm4b:s28+s8], $0x10, s29, s8, $0xb8;
	[tilespmem:$0x5A00] =	vst v63  }
0x29: {  	s30 =	rddreg [dreg:$0x6]  }
0x2a: {  	[tilespmem:s12], [sflag:$0x1] =	stream.indirect.gather [hbm4b:s28+s8], $0x10, s30, s8, $0xb8;
	[tilespmem:$0x5A00] =	vst v63  }
0x2b: {  	s29 =	rddreg [dreg:$0x7]  }
0x2c: {  	[tilespmem:s13], [sflag:$0x1] =	stream.indirect.gather [hbm4b:s28+s8], $0x10, s29, s8, $0xb8;
	[tilespmem:$0x5A00] =	vst v63  }
0x2d: {  	s30 =	rddreg [dreg:$0x8]  }
0x2e: {  	[tilespmem:s14], [sflag:$0x1] =	stream.indirect.gather [hbm4b:s28+s8], $0x10, s30, s8, $0xb8;
	[tilespmem:$0x5A00] =	vst v63  }
0x2f: {  	s29 =	rddreg [dreg:$0x9]  }
0x30: {  	[tilespmem:s15], [sflag:$0x1] =	stream.indirect.gather [hbm4b:s28+s8], $0x10, s29, s8, $0xb8;
	[tilespmem:$0x5A00] =	vst v63  }
0x31: {  	s30 =	rddreg [dreg:$0xa]  }
0x32: {  	[tilespmem:s16], [sflag:$0x1] =	stream.indirect.gather [hbm4b:s28+s8], $0x10, s30, s8, $0xb8;
	[tilespmem:$0x5A00] =	vst v63  }
0x33: {  	s29 =	rddreg [dreg:$0xb]  }
0x34: {  	[tilespmem:s17], [sflag:$0x1] =	stream.indirect.gather [hbm4b:s28+s8], $0x10, s29, s8, $0xb8;
	[tilespmem:$0x5A00] =	vst v63  }
0x35: {  	s30 =	rddreg [dreg:$0xc]  }
0x36: {  	[tilespmem:s18], [sflag:$0x1] =	stream.indirect.gather [hbm4b:s28+s8], $0x10, s30, s8, $0xb8;
	[tilespmem:$0x5A00] =	vst v63  }
0x37: {  	_ =	swait.ge [sflag:s19], $0x800  }
0x38: {  	[sflag:s19] =	ssyncset.done $0x0  }
0x39: {  	[sflag:s19] =	ssyncadd.s32 $0xFFFFF800  }
0x3a: {  	_ =	swait.ge [sflag:s19], $0x800  }
0x3b: {  	[sflag:s19] =	ssyncset.done $0x0  }
0x3c: {  	[sflag:s19] =	ssyncadd.s32 $0xFFFFF800  }
0x3d: {  	_ =	swait.ge [sflag:s19], $0x800  }
0x3e: {  	[sflag:s19] =	ssyncset.done $0x0  }
0x3f: {  	[sflag:s19] =	ssyncadd.s32 $0xFFFFF800  }
0x40: {  	_ =	swait.ge [sflag:s19], $0x800  }
0x41: {  	[sflag:s19] =	ssyncset.done $0x0  }
0x42: {  	[sflag:s19] =	ssyncadd.s32 $0xFFFFF800  }
0x43: {  	_ =	swait.ge [sflag:s19], $0x800  }
0x44: {  	[sflag:s19] =	ssyncset.done $0x0  }
0x45: {  	[sflag:s19] =	ssyncadd.s32 $0xFFFFF800  }
0x46: {  	_ =	swait.ge [sflag:s19], $0x800  }
0x47: {  	[sflag:s19] =	ssyncset.done $0x0  }
0x48: {  	[sflag:s19] =	ssyncadd.s32 $0xFFFFF800  }
0x49: {  	_ =	swait.ge [sflag:s19], $0x800  }
0x4a: {  	[sflag:s19] =	ssyncset.done $0x0  }
0x4b: {  	[sflag:s19] =	ssyncadd.s32 $0xFFFFF800  }
0x4c: {  	_ =	swait.ge [sflag:s19], $0x800  }
0x4d: {  	[sflag:s19] =	ssyncset.done $0x0  }
0x4e: {  	[sflag:s19] =	ssyncadd.s32 $0xFFFFF800  }
0x4f: {  	_ =	swait.ge [sflag:s19], $0x800  }
0x50: {  	[sflag:s19] =	ssyncset.done $0x0  }
0x51: {  	[sflag:s19] =	ssyncadd.s32 $0xFFFFF800  }
0x52: {  	_ =	swait.ge [sflag:s19], $0x800  }
0x53: {  	[sflag:s19] =	ssyncset.done $0x0  }
0x54: {  	[sflag:s19] =	ssyncadd.s32 $0xFFFFF800  }
0x55: {  	[hbm4b:s3+s8] =	stream.indirect.scatter [tilespmem:s9], [sflag:$0x2], $0x10, s7, s8, $0xb8;
	[tilespmem:$0x5A00] =	vst v63  }
0x56: {  	s28 =	rddreg [dreg:$0xd]  }
0x57: {  	[hbm4b:s3+s8] =	stream.indirect.scatter [tilespmem:s10], [sflag:$0x2], $0x10, s28, s8, $0xb8;
	[tilespmem:$0x5A00] =	vst v63  }
0x58: {  	s29 =	rddreg [dreg:$0xe]  }
0x59: {  	[hbm4b:s3+s8] =	stream.indirect.scatter [tilespmem:s11], [sflag:$0x2], $0x10, s29, s8, $0xb8;
	[tilespmem:$0x5A00] =	vst v63  }
0x5a: {  	s28 =	rddreg [dreg:$0xf]  }
0x5b: {  	[hbm4b:s3+s8] =	stream.indirect.scatter [tilespmem:s12], [sflag:$0x2], $0x10, s28, s8, $0xb8;
	[tilespmem:$0x5A00] =	vst v63  }
0x5c: {  	s29 =	rddreg [dreg:$0x10]  }
0x5d: {  	[hbm4b:s3+s8] =	stream.indirect.scatter [tilespmem:s13], [sflag:$0x2], $0x10, s29, s8, $0xb8;
	[tilespmem:$0x5A00] =	vst v63  }
0x5e: {  	_ = 	snop  }
0x5f: {  	[hbm4b:s3+s8] =	stream.indirect.scatter [tilespmem:s14], [sflag:$0x2], $0x10, s20, s8, $0xb8;
	[tilespmem:$0x5A00] =	vst v63  }
0x60: {  	_ = 	snop  }
0x61: {  	[hbm4b:s3+s8] =	stream.indirect.scatter [tilespmem:s15], [sflag:$0x2], $0x10, s21, s8, $0xb8;
	[tilespmem:$0x5A00] =	vst v63  }
0x62: {  	_ = 	snop  }
0x63: {  	[hbm4b:s3+s8] =	stream.indirect.scatter [tilespmem:s16], [sflag:$0x2], $0x10, s22, s8, $0xb8;
	[tilespmem:$0x5A00] =	vst v63  }
0x64: {  	_ = 	snop  }
0x65: {  	[hbm4b:s3+s8] =	stream.indirect.scatter [tilespmem:s17], [sflag:$0x2], $0x10, s23, s8, $0xb8;
	[tilespmem:$0x5A00] =	vst v63  }
0x66: {  	_ = 	snop  }
0x67: {  	[hbm4b:s3+s8] =	stream.indirect.scatter [tilespmem:s18], [sflag:$0x2], $0x10, s24, s8, $0xb8;
	[tilespmem:$0x5A00] =	vst v63  }
0x68: {  	_ =	swait.ge [sflag:s25], $0x800  }
0x69: {  	[sflag:s25] =	ssyncset.done $0x0  }
0x6a: {  	[sflag:s25] =	ssyncadd.s32 $0xFFFFF800  }
0x6b: {  	_ =	swait.ge [sflag:s25], $0x800  }
0x6c: {  	[sflag:s25] =	ssyncset.done $0x0  }
0x6d: {  	[sflag:s25] =	ssyncadd.s32 $0xFFFFF800  }
0x6e: {  	_ =	swait.ge [sflag:s25], $0x800  }
0x6f: {  	[sflag:s25] =	ssyncset.done $0x0  }
0x70: {  	[sflag:s25] =	ssyncadd.s32 $0xFFFFF800  }
0x71: {  	_ =	swait.ge [sflag:s25], $0x800  }
0x72: {  	[sflag:s25] =	ssyncset.done $0x0  }
0x73: {  	[sflag:s25] =	ssyncadd.s32 $0xFFFFF800  }
0x74: {  	_ =	swait.ge [sflag:s25], $0x800  }
0x75: {  	[sflag:s25] =	ssyncset.done $0x0  }
0x76: {  	[sflag:s25] =	ssyncadd.s32 $0xFFFFF800  }
0x77: {  	_ =	swait.ge [sflag:s25], $0x800  }
0x78: {  	[sflag:s25] =	ssyncset.done $0x0  }
0x79: {  	[sflag:s25] =	ssyncadd.s32 $0xFFFFF800  }
0x7a: {  	_ =	swait.ge [sflag:s25], $0x800  }
0x7b: {  	[sflag:s25] =	ssyncset.done $0x0  }
0x7c: {  	[sflag:s25] =	ssyncadd.s32 $0xFFFFF800  }
0x7d: {  	_ =	swait.ge [sflag:s25], $0x800  }
0x7e: {  	[sflag:s25] =	ssyncset.done $0x0  }
0x7f: {  	[sflag:s25] =	ssyncadd.s32 $0xFFFFF800  }
0x80: {  	_ =	swait.ge [sflag:s25], $0x800  }
0x81: {  	[sflag:s25] =	ssyncset.done $0x0  }
0x82: {  	[sflag:s25] =	ssyncadd.s32 $0xFFFFF800  }
0x83: {  	s30 =	simm.s32 $0x140;
	s28 =	simm.s32 $0xA0;
	_ =	swait.ge [sflag:s25], $0x800  }
0x84: {  	s29 =	smov.u32 s5;
	s31 =	rddreg [dreg:$0x4];
	[sflag:s25] =	ssyncset.done $0x0  }
.LBB2_2:
0x85: {  	[sflag:s25] =	ssyncadd.s32 $0xFFFFF800;
	s29 =	sadd.s32 $0x1, s29;
	s31 =	sadd.s32 s28, s31  }
0x86: {  	[tilespmem:s2], [sflag:$0x3] =	stream.linear.gather [hbm4b:s31+s2], $0x500, $0x38;
	[tilespmem:$0x5A00] =	vst v63  }
0x87: {  	s1 =	smulhi.u32 $0xCCCCCCCD, s29;
	_ =	swait.ge [sflag:s6], $0x500  }
0x88: {  	s31 =	rddreg [dreg:$0x3];
	[sflag:s6] =	ssyncset.done $0x0  }
0x89: {  	s1 =	sshrl.u32 s1, $0x7;
	[sflag:s6] =	ssyncadd.s32 $0xFFFFFB00;
	s28 =	sadd.s32 s28, s31  }
0x8a: {  	[tilespmem:s7], [sflag:$0x3] =	stream.linear.gather [hbm4b:s28+s2], $0x500, $0x38;
	[tilespmem:$0x5A00] =	vst v63  }
0x8b: {  	s0 =	smov.u32 s30;
	s1 =	smul.u32 $0x30D80, s1;
	_ =	swait.ge [sflag:s6], $0x500  }
0x8c: {  	s28 =	smov.u32 s0;
	s0 =	rddreg [dreg:$0x2];
	[sflag:s6] =	ssyncset.done $0x0  }
0x8d: {  	[sflag:s6] =	ssyncadd.s32 $0xFFFFFB00;
	s0 =	sadd.s32 s0, s1  }
0x8e: {  	[tilespmem:s9], [sflag:$0x1] =	stream.indirect.gather [hbm4b:s0+s8], $0x10, s2, s8, $0xb8;
	[tilespmem:$0x5A00] =	vst v63  }
0x8f: {  	_ = 	snop  }
0x90: {  	[tilespmem:s10], [sflag:$0x1] =	stream.indirect.gather [hbm4b:s0+s8], $0x10, s8, s8, $0xb8;
	[tilespmem:$0x5A00] =	vst v63  }
0x91: {  	s1 =	rddreg [dreg:$0x5]  }
0x92: {  	[tilespmem:s11], [sflag:$0x1] =	stream.indirect.gather [hbm4b:s0+s8], $0x10, s1, s8, $0xb8;
	[tilespmem:$0x5A00] =	vst v63  }
0x93: {  	s31 =	rddreg [dreg:$0x6]  }
0x94: {  	[tilespmem:s12], [sflag:$0x1] =	stream.indirect.gather [hbm4b:s0+s8], $0x10, s31, s8, $0xb8;
	[tilespmem:$0x5A00] =	vst v63  }
0x95: {  	s1 =	rddreg [dreg:$0x7]  }
0x96: {  	[tilespmem:s13], [sflag:$0x1] =	stream.indirect.gather [hbm4b:s0+s8], $0x10, s1, s8, $0xb8;
	[tilespmem:$0x5A00] =	vst v63  }
0x97: {  	s31 =	rddreg [dreg:$0x8]  }
0x98: {  	[tilespmem:s14], [sflag:$0x1] =	stream.indirect.gather [hbm4b:s0+s8], $0x10, s31, s8, $0xb8;
	[tilespmem:$0x5A00] =	vst v63  }
0x99: {  	s1 =	rddreg [dreg:$0x9]  }
0x9a: {  	[tilespmem:s15], [sflag:$0x1] =	stream.indirect.gather [hbm4b:s0+s8], $0x10, s1, s8, $0xb8;
	[tilespmem:$0x5A00] =	vst v63  }
0x9b: {  	s31 =	rddreg [dreg:$0xa]  }
0x9c: {  	[tilespmem:s16], [sflag:$0x1] =	stream.indirect.gather [hbm4b:s0+s8], $0x10, s31, s8, $0xb8;
	[tilespmem:$0x5A00] =	vst v63  }
0x9d: {  	s1 =	rddreg [dreg:$0xb]  }
0x9e: {  	[tilespmem:s17], [sflag:$0x1] =	stream.indirect.gather [hbm4b:s0+s8], $0x10, s1, s8, $0xb8;
	[tilespmem:$0x5A00] =	vst v63  }
0x9f: {  	s31 =	rddreg [dreg:$0xc]  }
0xa0: {  	[tilespmem:s18], [sflag:$0x1] =	stream.indirect.gather [hbm4b:s0+s8], $0x10, s31, s8, $0xb8;
	[tilespmem:$0x5A00] =	vst v63  }
0xa1: {  	_ =	swait.ge [sflag:s19], $0x800  }
0xa2: {  	[sflag:s19] =	ssyncset.done $0x0  }
0xa3: {  	[sflag:s19] =	ssyncadd.s32 $0xFFFFF800  }
0xa4: {  	_ =	swait.ge [sflag:s19], $0x800  }
0xa5: {  	[sflag:s19] =	ssyncset.done $0x0  }
0xa6: {  	[sflag:s19] =	ssyncadd.s32 $0xFFFFF800  }
0xa7: {  	_ =	swait.ge [sflag:s19], $0x800  }
0xa8: {  	[sflag:s19] =	ssyncset.done $0x0  }
0xa9: {  	[sflag:s19] =	ssyncadd.s32 $0xFFFFF800  }
0xaa: {  	_ =	swait.ge [sflag:s19], $0x800  }
0xab: {  	[sflag:s19] =	ssyncset.done $0x0  }
0xac: {  	[sflag:s19] =	ssyncadd.s32 $0xFFFFF800  }
0xad: {  	_ =	swait.ge [sflag:s19], $0x800  }
0xae: {  	[sflag:s19] =	ssyncset.done $0x0  }
0xaf: {  	[sflag:s19] =	ssyncadd.s32 $0xFFFFF800  }
0xb0: {  	_ =	swait.ge [sflag:s19], $0x800  }
0xb1: {  	[sflag:s19] =	ssyncset.done $0x0  }
0xb2: {  	[sflag:s19] =	ssyncadd.s32 $0xFFFFF800  }
0xb3: {  	_ =	swait.ge [sflag:s19], $0x800  }
0xb4: {  	[sflag:s19] =	ssyncset.done $0x0  }
0xb5: {  	[sflag:s19] =	ssyncadd.s32 $0xFFFFF800  }
0xb6: {  	_ =	swait.ge [sflag:s19], $0x800  }
0xb7: {  	[sflag:s19] =	ssyncset.done $0x0  }
0xb8: {  	[sflag:s19] =	ssyncadd.s32 $0xFFFFF800  }
0xb9: {  	_ =	swait.ge [sflag:s19], $0x800  }
0xba: {  	[sflag:s19] =	ssyncset.done $0x0  }
0xbb: {  	[sflag:s19] =	ssyncadd.s32 $0xFFFFF800  }
0xbc: {  	_ =	swait.ge [sflag:s19], $0x800  }
0xbd: {  	[sflag:s19] =	ssyncset.done $0x0  }
0xbe: {  	[sflag:s19] =	ssyncadd.s32 $0xFFFFF800  }
0xbf: {  	[hbm4b:s3+s8] =	stream.indirect.scatter [tilespmem:s9], [sflag:$0x2], $0x10, s7, s8, $0xb8;
	[tilespmem:$0x5A00] =	vst v63  }
0xc0: {  	s0 =	rddreg [dreg:$0xd]  }
0xc1: {  	[hbm4b:s3+s8] =	stream.indirect.scatter [tilespmem:s10], [sflag:$0x2], $0x10, s0, s8, $0xb8;
	[tilespmem:$0x5A00] =	vst v63  }
0xc2: {  	s1 =	rddreg [dreg:$0xe]  }
0xc3: {  	[hbm4b:s3+s8] =	stream.indirect.scatter [tilespmem:s11], [sflag:$0x2], $0x10, s1, s8, $0xb8;
	[tilespmem:$0x5A00] =	vst v63  }
0xc4: {  	s0 =	rddreg [dreg:$0xf]  }
0xc5: {  	[hbm4b:s3+s8] =	stream.indirect.scatter [tilespmem:s12], [sflag:$0x2], $0x10, s0, s8, $0xb8;
	[tilespmem:$0x5A00] =	vst v63  }
0xc6: {  	s1 =	rddreg [dreg:$0x10]  }
0xc7: {  	[hbm4b:s3+s8] =	stream.indirect.scatter [tilespmem:s13], [sflag:$0x2], $0x10, s1, s8, $0xb8;
	[tilespmem:$0x5A00] =	vst v63  }
0xc8: {  	_ = 	snop  }
0xc9: {  	[hbm4b:s3+s8] =	stream.indirect.scatter [tilespmem:s14], [sflag:$0x2], $0x10, s20, s8, $0xb8;
	[tilespmem:$0x5A00] =	vst v63  }
0xca: {  	_ = 	snop  }
0xcb: {  	[hbm4b:s3+s8] =	stream.indirect.scatter [tilespmem:s15], [sflag:$0x2], $0x10, s21, s8, $0xb8;
	[tilespmem:$0x5A00] =	vst v63  }
0xcc: {  	_ = 	snop  }
0xcd: {  	[hbm4b:s3+s8] =	stream.indirect.scatter [tilespmem:s16], [sflag:$0x2], $0x10, s22, s8, $0xb8;
	[tilespmem:$0x5A00] =	vst v63  }
0xce: {  	_ = 	snop  }
0xcf: {  	[hbm4b:s3+s8] =	stream.indirect.scatter [tilespmem:s17], [sflag:$0x2], $0x10, s23, s8, $0xb8;
	[tilespmem:$0x5A00] =	vst v63  }
0xd0: {  	_ = 	snop  }
0xd1: {  	[hbm4b:s3+s8] =	stream.indirect.scatter [tilespmem:s18], [sflag:$0x2], $0x10, s24, s8, $0xb8;
	[tilespmem:$0x5A00] =	vst v63  }
0xd2: {  	_ =	swait.ge [sflag:s25], $0x800  }
0xd3: {  	[sflag:s25] =	ssyncset.done $0x0  }
0xd4: {  	[sflag:s25] =	ssyncadd.s32 $0xFFFFF800  }
0xd5: {  	_ =	swait.ge [sflag:s25], $0x800  }
0xd6: {  	[sflag:s25] =	ssyncset.done $0x0  }
0xd7: {  	[sflag:s25] =	ssyncadd.s32 $0xFFFFF800  }
0xd8: {  	_ =	swait.ge [sflag:s25], $0x800  }
0xd9: {  	[sflag:s25] =	ssyncset.done $0x0  }
0xda: {  	[sflag:s25] =	ssyncadd.s32 $0xFFFFF800  }
0xdb: {  	_ =	swait.ge [sflag:s25], $0x800  }
0xdc: {  	[sflag:s25] =	ssyncset.done $0x0  }
0xdd: {  	[sflag:s25] =	ssyncadd.s32 $0xFFFFF800  }
0xde: {  	_ =	swait.ge [sflag:s25], $0x800  }
0xdf: {  	[sflag:s25] =	ssyncset.done $0x0  }
0xe0: {  	[sflag:s25] =	ssyncadd.s32 $0xFFFFF800  }
0xe1: {  	_ =	swait.ge [sflag:s25], $0x800  }
0xe2: {  	[sflag:s25] =	ssyncset.done $0x0  }
0xe3: {  	[sflag:s25] =	ssyncadd.s32 $0xFFFFF800  }
0xe4: {  	_ =	swait.ge [sflag:s25], $0x800  }
0xe5: {  	[sflag:s25] =	ssyncset.done $0x0  }
0xe6: {  	[sflag:s25] =	ssyncadd.s32 $0xFFFFF800  }
0xe7: {  	_ =	swait.ge [sflag:s25], $0x800  }
0xe8: {  	[sflag:s25] =	ssyncset.done $0x0  }
0xe9: {  	p0 =	sne.s32 s30, $0x50A0;
	[sflag:s25] =	ssyncadd.s32 $0xFFFFF800  }
.Ltmp0:
0xea: {  	_ =	swait.ge [sflag:s25], $0x800;
	(pc) =	sbr.rel @p0 .LBB2_2-.Ltmp0, $4  }
0xeb: {  	[sflag:s25] =	ssyncset.done $0x0  }
0xec: {  	[sflag:s25] =	ssyncadd.s32 $0xFFFFF800  }
0xed: {  	_ =	swait.ge [sflag:s25], $0x800  }
0xee: {  	s30 =	sadd.s32 $0xA0, s30;
	s31 =	rddreg [dreg:$0x4];
	[sflag:s25] =	ssyncset.done $0x0  }
0xef: {  	[sflag:s25] =	ssyncadd.s32 $0xFFFFF800;
	s0 =	sadd.s32 s28, s31;
	s1 =	sadd.s32 $0x1, s29  }
0xf0: {  	[tilespmem:s2], [sflag:$0x3] =	stream.linear.gather [hbm4b:s0+s2], $0x500, $0x38;
	[tilespmem:$0x5A00] =	vst v63  }
0xf1: {  	s1 =	smulhi.u32 $0xCCCCCCCD, s1;
	_ =	swait.ge [sflag:s6], $0x500  }
0xf2: {  	s31 =	rddreg [dreg:$0x3];
	[sflag:s6] =	ssyncset.done $0x0  }
0xf3: {  	[sflag:s6] =	ssyncadd.s32 $0xFFFFFB00;
	s0 =	sadd.s32 s28, s31;
	s28 =	sshrl.u32 s1, $0x7  }
0xf4: {  	[tilespmem:s7], [sflag:$0x3] =	stream.linear.gather [hbm4b:s0+s2], $0x500, $0x38;
	[tilespmem:$0x5A00] =	vst v63  }
0xf5: {  	s0 =	smul.u32 $0x30D80, s28;
	_ =	swait.ge [sflag:s6], $0x500  }
0xf6: {  	s29 =	rddreg [dreg:$0x2];
	[sflag:s6] =	ssyncset.done $0x0  }
0xf7: {  	[sflag:s6] =	ssyncadd.s32 $0xFFFFFB00;
	s0 =	sadd.s32 s29, s0  }
0xf8: {  	[tilespmem:s9], [sflag:$0x1] =	stream.indirect.gather [hbm4b:s0+s8], $0x10, s2, s8, $0xb8;
	[tilespmem:$0x5A00] =	vst v63  }
0xf9: {  	_ = 	snop  }
0xfa: {  	[tilespmem:s10], [sflag:$0x1] =	stream.indirect.gather [hbm4b:s0+s8], $0x10, s8, s8, $0xb8;
	[tilespmem:$0x5A00] =	vst v63  }
0xfb: {  	s30 =	rddreg [dreg:$0x5]  }
0xfc: {  	[tilespmem:s11], [sflag:$0x1] =	stream.indirect.gather [hbm4b:s0+s8], $0x10, s30, s8, $0xb8;
	[tilespmem:$0x5A00] =	vst v63  }
0xfd: {  	s31 =	rddreg [dreg:$0x6]  }
0xfe: {  	[tilespmem:s12], [sflag:$0x1] =	stream.indirect.gather [hbm4b:s0+s8], $0x10, s31, s8, $0xb8;
	[tilespmem:$0x5A00] =	vst v63  }
0xff: {  	s29 =	rddreg [dreg:$0x7]  }
0x100: {  	[tilespmem:s13], [sflag:$0x1] =	stream.indirect.gather [hbm4b:s0+s8], $0x10, s29, s8, $0xb8;
	[tilespmem:$0x5A00] =	vst v63  }
0x101: {  	s30 =	rddreg [dreg:$0x8]  }
0x102: {  	[tilespmem:s14], [sflag:$0x1] =	stream.indirect.gather [hbm4b:s0+s8], $0x10, s30, s8, $0xb8;
	[tilespmem:$0x5A00] =	vst v63  }
0x103: {  	s31 =	rddreg [dreg:$0x9]  }
0x104: {  	[tilespmem:s15], [sflag:$0x1] =	stream.indirect.gather [hbm4b:s0+s8], $0x10, s31, s8, $0xb8;
	[tilespmem:$0x5A00] =	vst v63  }
0x105: {  	s29 =	rddreg [dreg:$0xa]  }
0x106: {  	[tilespmem:s16], [sflag:$0x1] =	stream.indirect.gather [hbm4b:s0+s8], $0x10, s29, s8, $0xb8;
	[tilespmem:$0x5A00] =	vst v63  }
0x107: {  	s30 =	rddreg [dreg:$0xb]  }
0x108: {  	[tilespmem:s17], [sflag:$0x1] =	stream.indirect.gather [hbm4b:s0+s8], $0x10, s30, s8, $0xb8;
	[tilespmem:$0x5A00] =	vst v63  }
0x109: {  	s31 =	rddreg [dreg:$0xc]  }
0x10a: {  	[tilespmem:s18], [sflag:$0x1] =	stream.indirect.gather [hbm4b:s0+s8], $0x10, s31, s8, $0xb8;
	[tilespmem:$0x5A00] =	vst v63  }
0x10b: {  	_ =	swait.ge [sflag:s19], $0x800  }
0x10c: {  	[sflag:s19] =	ssyncset.done $0x0  }
0x10d: {  	[sflag:s19] =	ssyncadd.s32 $0xFFFFF800  }
0x10e: {  	_ =	swait.ge [sflag:s19], $0x800  }
0x10f: {  	[sflag:s19] =	ssyncset.done $0x0  }
0x110: {  	[sflag:s19] =	ssyncadd.s32 $0xFFFFF800  }
0x111: {  	_ =	swait.ge [sflag:s19], $0x800  }
0x112: {  	[sflag:s19] =	ssyncset.done $0x0  }
0x113: {  	[sflag:s19] =	ssyncadd.s32 $0xFFFFF800  }
0x114: {  	_ =	swait.ge [sflag:s19], $0x800  }
0x115: {  	[sflag:s19] =	ssyncset.done $0x0  }
0x116: {  	[sflag:s19] =	ssyncadd.s32 $0xFFFFF800  }
0x117: {  	_ =	swait.ge [sflag:s19], $0x800  }
0x118: {  	[sflag:s19] =	ssyncset.done $0x0  }
0x119: {  	[sflag:s19] =	ssyncadd.s32 $0xFFFFF800  }
0x11a: {  	_ =	swait.ge [sflag:s19], $0x800  }
0x11b: {  	[sflag:s19] =	ssyncset.done $0x0  }
0x11c: {  	[sflag:s19] =	ssyncadd.s32 $0xFFFFF800  }
0x11d: {  	_ =	swait.ge [sflag:s19], $0x800  }
0x11e: {  	[sflag:s19] =	ssyncset.done $0x0  }
0x11f: {  	[sflag:s19] =	ssyncadd.s32 $0xFFFFF800  }
0x120: {  	_ =	swait.ge [sflag:s19], $0x800  }
0x121: {  	[sflag:s19] =	ssyncset.done $0x0  }
0x122: {  	[sflag:s19] =	ssyncadd.s32 $0xFFFFF800  }
0x123: {  	_ =	swait.ge [sflag:s19], $0x800  }
0x124: {  	[sflag:s19] =	ssyncset.done $0x0  }
0x125: {  	[sflag:s19] =	ssyncadd.s32 $0xFFFFF800  }
0x126: {  	_ =	swait.ge [sflag:s19], $0x800  }
0x127: {  	[sflag:s19] =	ssyncset.done $0x0  }
0x128: {  	[sflag:s19] =	ssyncadd.s32 $0xFFFFF800  }
0x129: {  	[hbm4b:s3+s8] =	stream.indirect.scatter [tilespmem:s9], [sflag:$0x2], $0x10, s7, s8, $0xb8;
	[tilespmem:$0x5A00] =	vst v63  }
0x12a: {  	s28 =	rddreg [dreg:$0xd]  }
0x12b: {  	[hbm4b:s3+s8] =	stream.indirect.scatter [tilespmem:s10], [sflag:$0x2], $0x10, s28, s8, $0xb8;
	[tilespmem:$0x5A00] =	vst v63  }
0x12c: {  	s29 =	rddreg [dreg:$0xe]  }
0x12d: {  	[hbm4b:s3+s8] =	stream.indirect.scatter [tilespmem:s11], [sflag:$0x2], $0x10, s29, s8, $0xb8;
	[tilespmem:$0x5A00] =	vst v63  }
0x12e: {  	s30 =	rddreg [dreg:$0xf]  }
0x12f: {  	[hbm4b:s3+s8] =	stream.indirect.scatter [tilespmem:s12], [sflag:$0x2], $0x10, s30, s8, $0xb8;
	[tilespmem:$0x5A00] =	vst v63  }
0x130: {  	s31 =	rddreg [dreg:$0x10]  }
0x131: {  	[hbm4b:s3+s8] =	stream.indirect.scatter [tilespmem:s13], [sflag:$0x2], $0x10, s31, s8, $0xb8;
	[tilespmem:$0x5A00] =	vst v63  }
0x132: {  	_ = 	snop  }
0x133: {  	[hbm4b:s3+s8] =	stream.indirect.scatter [tilespmem:s14], [sflag:$0x2], $0x10, s20, s8, $0xb8;
	[tilespmem:$0x5A00] =	vst v63  }
0x134: {  	_ = 	snop  }
0x135: {  	[hbm4b:s3+s8] =	stream.indirect.scatter [tilespmem:s15], [sflag:$0x2], $0x10, s21, s8, $0xb8;
	[tilespmem:$0x5A00] =	vst v63  }
0x136: {  	_ = 	snop  }
0x137: {  	[hbm4b:s3+s8] =	stream.indirect.scatter [tilespmem:s16], [sflag:$0x2], $0x10, s22, s8, $0xb8;
	[tilespmem:$0x5A00] =	vst v63  }
0x138: {  	_ = 	snop  }
0x139: {  	[hbm4b:s3+s8] =	stream.indirect.scatter [tilespmem:s17], [sflag:$0x2], $0x10, s23, s8, $0xb8;
	[tilespmem:$0x5A00] =	vst v63  }
0x13a: {  	_ = 	snop  }
0x13b: {  	[hbm4b:s3+s8] =	stream.indirect.scatter [tilespmem:s18], [sflag:$0x2], $0x10, s24, s8, $0xb8;
	[tilespmem:$0x5A00] =	vst v63  }
0x13c: {  	_ =	swait.ge [sflag:s25], $0x800  }
0x13d: {  	[sflag:s25] =	ssyncset.done $0x0  }
0x13e: {  	[sflag:s25] =	ssyncadd.s32 $0xFFFFF800  }
0x13f: {  	_ =	swait.ge [sflag:s25], $0x800  }
0x140: {  	[sflag:s25] =	ssyncset.done $0x0  }
0x141: {  	[sflag:s25] =	ssyncadd.s32 $0xFFFFF800  }
0x142: {  	_ =	swait.ge [sflag:s25], $0x800  }
0x143: {  	[sflag:s25] =	ssyncset.done $0x0  }
0x144: {  	[sflag:s25] =	ssyncadd.s32 $0xFFFFF800  }
0x145: {  	_ =	swait.ge [sflag:s25], $0x800  }
0x146: {  	[sflag:s25] =	ssyncset.done $0x0  }
0x147: {  	[sflag:s25] =	ssyncadd.s32 $0xFFFFF800  }
0x148: {  	_ =	swait.ge [sflag:s25], $0x800  }
0x149: {  	[sflag:s25] =	ssyncset.done $0x0  }
0x14a: {  	[sflag:s25] =	ssyncadd.s32 $0xFFFFF800  }
0x14b: {  	_ =	swait.ge [sflag:s25], $0x800  }
0x14c: {  	[sflag:s25] =	ssyncset.done $0x0  }
0x14d: {  	[sflag:s25] =	ssyncadd.s32 $0xFFFFF800  }
0x14e: {  	_ =	swait.ge [sflag:s25], $0x800  }
0x14f: {  	[sflag:s25] =	ssyncset.done $0x0  }
0x150: {  	[sflag:s25] =	ssyncadd.s32 $0xFFFFF800  }
0x151: {  	_ =	swait.ge [sflag:s25], $0x800  }
0x152: {  	[sflag:s25] =	ssyncset.done $0x0  }
0x153: {  	s26 =	sadd.s32 $0x1, s26;
	[sflag:s25] =	ssyncadd.s32 $0xFFFFF800  }
0x154: {  	p0 =	sne.s32 s26, s4;
	_ =	swait.ge [sflag:s25], $0x800  }
.Ltmp1:
0x155: {  	[sflag:s25] =	ssyncset.done $0x0;
	(pc) =	sbr.rel @p0 .LBB2_1-.Ltmp1, $4  }
0x156: {  	[sflag:s25] =	ssyncadd.s32 $0xFFFFF800  }
0x157: {  	_ =	swait.ge [sflag:s25], $0x800  }
0x158: {  	[sflag:s25] =	ssyncset.done $0x0  }
0x159: {  	[sflag:s25] =	ssyncadd.s32 $0xFFFFF800  }
0x15a: {  	_ =	sfence.sel $0x180000  }
0x15b: {  	[bflag:$0x0] =	sbarrier.arrive $0xFFFF  }
0x15c: {  	_ =	strace $0x90000047  }
0x15d: {  	s0 =	stileid.u32;
	[bflag:$0x2] =	sbarrier.arrive $0xFFFF  }
0x15e: {  	p0 =	sne.s32 s0, $0x0;
	s0 =	rddreg [dreg:$0x1]  }
0x15f: {  	s0 =	sadd.s32 @!p0 $0x100000, s0  }
0x160: {  	[sflag:s0] =	ssyncadd.tile.s32 @!p0 $0x1;
	_ =	shalt  }
.Lfunc_end2:
_tile_overlayer_lowered:
.L_overlay_start_2:
0x161: {  	(tag) =	ssettag $0x2  }
0x162: {  	s0 =	rddreg [dreg:$0x0];
	s2 =	stileid.u32  }
0x163: {  	s1 =	rddreg [dreg:$0x1];
	p0 =	sne.s32 s2, $0x0  }
0x164: {  	s3 =	rddreg [dreg:$0x2];
	[bflag:$0x3] =	sbarrier.arrive $0xFFFF;
	s2 =	simm.s32 @!p0 $0x1C03  }
0x165: {  	[timem:s3], [sflag:s2] =	dma.local @!p0 [hbm:s0], s1  }
0x166: {  	s0 =	simm.s32 @!p0 $0x3  }
0x167: {  	_ =	swait.ge @!p0 [sflag:s0], s1  }
0x168: {  	s1 =	ssub.s32 @!p0 $0x0, s1;
	[sflag:s0] =	ssyncset.done @!p0 $0x0  }
0x169: {  	[sflag:s0] =	ssyncadd.s32 @!p0 s1  }
0x16a: {  	[bflag:$0x3] =	sbarrier.arrive $0xFFFF  }
0x16b: {  	_ =	shalt  }

</sc_bundles>
